<compile_context>
chip_gen: v7x
topology: tpu7x:2x2x1
jax: 0.10.2.dev20260603
libtpu: 0.0.44.dev20260713+nightly
codegen_flags: <defaults>
</compile_context>

<pallas_src>
import functools

import jax
import jax.numpy as jnp
from jax import lax
from jax.experimental import pallas as pl
from jax.experimental.pallas import tpu as pltpu
from jax.experimental.pallas import tpu_sc as plsc

N = 10000
F = 128
E = 320000

NC = 2
NS = 16
CH = 128
NB = 2

SEG = 16
CHUNKS = 80
E_PAD = NC * NS * CH * CHUNKS
ROUNDS = CHUNKS // NB
NSEG = CHUNKS // SEG

ROWS_PER_TILE = 640
ACC_N = NS * ROWS_PER_TILE

_MESH = plsc.VectorSubcoreMesh(core_axis_name="c", subcore_axis_name="s")


@functools.partial(
    pl.kernel,
    out_type=jax.ShapeDtypeStruct((NC * ACC_N,), jnp.float32),
    mesh=_MESH,
    scratch_types=[
        pltpu.VMEM((CHUNKS, CH), jnp.int32),
        pltpu.VMEM((CH,), jnp.float32),
        pltpu.VMEM((ROWS_PER_TILE,), jnp.float32),
        pltpu.VMEM_SHARED((ACC_N,), jnp.float32),
        pltpu.SemaphoreType.DMA,
    ],
)
def _deg_hist(row2d_hbm, hist_out, idx2d, ones, dbuf, hist, sem):
    cid = lax.axis_index("c")
    sid = lax.axis_index("s")

    def init(i, c):
        ones[pl.ds(i * 16, 16)] = jnp.ones((16,), jnp.float32)
        return c
    lax.fori_loop(0, CH // 16, init, 0)

    def zero(i, c):
        dbuf[pl.ds(i * 16, 16)] = jnp.zeros((16,), jnp.float32)
        return c
    lax.fori_loop(0, ROWS_PER_TILE // 16, zero, 0)
    pltpu.sync_copy(dbuf, hist.at[pl.ds(sid * ROWS_PER_TILE, ROWS_PER_TILE)])
    pltpu.sync_copy(row2d_hbm.at[pl.ds((cid * NS + sid) * CHUNKS, CHUNKS)], idx2d)
    plsc.subcore_barrier()

    W = 8

    def body(j, c):
        pltpu.async_copy(ones, hist.at[idx2d.at[j]], sem, add=True)

        @pl.when(j >= W)
        def _():
            pltpu.make_async_copy(ones, hist.at[idx2d.at[j - W]], sem).wait()
        return c
    lax.fori_loop(0, CHUNKS, body, 0)

    def drain(j, c):
        pltpu.make_async_copy(ones, hist.at[idx2d.at[j]], sem).wait()
        return c
    lax.fori_loop(CHUNKS - W, CHUNKS, drain, 0)
    plsc.subcore_barrier()

    tbase = sid * ROWS_PER_TILE
    pltpu.sync_copy(hist.at[pl.ds(tbase, ROWS_PER_TILE)],
                    hist_out.at[pl.ds(cid * ACC_N + tbase, ROWS_PER_TILE)])


def _mm_body(x_ref, w_ref, h0_ref, h1_ref, o_ref, d_ref):
    d = lax.rsqrt(h0_ref[...] + h1_ref[...] + 1.0)
    d_ref[...] = d
    s = jnp.dot(x_ref[...], w_ref[...], preferred_element_type=jnp.float32)
    o_ref[...] = s * d


@functools.partial(
    pl.kernel,
    out_type=jax.ShapeDtypeStruct((NC * ACC_N, F), jnp.float32),
    mesh=_MESH,
    scratch_types=[
        pltpu.VMEM((2 * SEG, CH), jnp.int32),
        pltpu.VMEM((2 * SEG, CH), jnp.int32),
        pltpu.VMEM((CH, F), jnp.float32),
        pltpu.VMEM((CH, F), jnp.float32),
        pltpu.VMEM_SHARED((ACC_N, F), jnp.float32),
        pltpu.SemaphoreType.DMA,
        pltpu.SemaphoreType.DMA,
        pltpu.SemaphoreType.DMA,
        pltpu.SemaphoreType.DMA,
        pltpu.SemaphoreType.DMA,
    ],
)
def _edge_scatter(scaled_hbm, row2d_hbm, col2d_hbm, acc_out, colidx, rowidx,
                  rows0, rows1, acc,
                  sg0, sg1, ss0, ss1, sem_i):
    cid = lax.axis_index("c")
    sid = lax.axis_index("s")
    wid = sid * NC + cid
    cbase = wid * CHUNKS
    rows = (rows0, rows1)
    sg = (sg0, sg1)
    ss = (ss0, ss1)

    def zrow(i, c):
        for j in range(F // 16):
            rows0[i, pl.ds(j * 16, 16)] = jnp.zeros((16,), jnp.float32)
        return c
    lax.fori_loop(0, CH, zrow, 0)

    def zcopy(k, c):
        pltpu.sync_copy(rows0, acc.at[pl.ds(sid * ROWS_PER_TILE + k * CH, CH)])
        return c
    nfull = ROWS_PER_TILE // CH
    lax.fori_loop(0, nfull, zcopy, 0)
    rem_rows = ROWS_PER_TILE - nfull * CH
    if rem_rows:
        pltpu.sync_copy(
            rows0.at[pl.ds(0, rem_rows)],
            acc.at[pl.ds(sid * ROWS_PER_TILE + nfull * CH, rem_rows)])

    pltpu.sync_copy(col2d_hbm.at[pl.ds(cbase, SEG)], colidx.at[pl.ds(0, SEG)])
    pltpu.sync_copy(row2d_hbm.at[pl.ds(cbase, SEG)], rowidx.at[pl.ds(0, SEG)])

    def idx_prefetch(seg):
        off = lax.rem(seg, 2) * SEG
        pltpu.async_copy(col2d_hbm.at[pl.ds(cbase + seg * SEG, SEG)],
                         colidx.at[pl.ds(off, SEG)], sem_i)
        pltpu.async_copy(row2d_hbm.at[pl.ds(cbase + seg * SEG, SEG)],
                         rowidx.at[pl.ds(off, SEG)], sem_i)

    def idx_wait(seg):
        off = lax.rem(seg, 2) * SEG
        pltpu.make_async_copy(col2d_hbm.at[pl.ds(cbase + seg * SEG, SEG)],
                              colidx.at[pl.ds(off, SEG)], sem_i).wait()
        pltpu.make_async_copy(row2d_hbm.at[pl.ds(cbase + seg * SEG, SEG)],
                              rowidx.at[pl.ds(off, SEG)], sem_i).wait()

    idx_prefetch(1)
    plsc.subcore_barrier()

    def gather(b, chunk):
        slot = lax.rem(chunk, 2 * SEG)
        pltpu.async_copy(scaled_hbm.at[colidx.at[slot]], rows[b], sg[b])

    def gather_wait(b, chunk):
        slot = lax.rem(chunk, 2 * SEG)
        pltpu.make_async_copy(scaled_hbm.at[colidx.at[slot]], rows[b],
                              sg[b]).wait()

    def scatter(b, chunk):
        slot = lax.rem(chunk, 2 * SEG)
        pltpu.async_copy(rows[b], acc.at[rowidx.at[slot]], ss[b], add=True)

    def scatter_wait(b, chunk):
        slot = lax.rem(chunk, 2 * SEG)
        pltpu.make_async_copy(rows[b], acc.at[rowidx.at[slot]], ss[b]).wait()

    for b in range(NB):
        gather(b, b)

    def body(r, c):
        for b in range(NB):
            gather_wait(b, r * NB + b)
            scatter(b, r * NB + b)
        seg_next = (r + 1) * NB // SEG
        crossing = lax.rem(r, SEG // NB) == SEG // NB - 1

        @pl.when(crossing)
        def _():
            idx_wait(seg_next)
        for b in range(NB):
            scatter_wait(b, r * NB + b)
            gather(b, (r + 1) * NB + b)

        @pl.when(crossing & (seg_next + 1 <= NSEG - 1))
        def _():
            idx_prefetch(seg_next + 1)
        return c
    lax.fori_loop(0, ROUNDS - 1, body, 0)

    for b in range(NB):
        gather_wait(b, (ROUNDS - 1) * NB + b)
        scatter(b, (ROUNDS - 1) * NB + b)
    for b in range(NB):
        scatter_wait(b, (ROUNDS - 1) * NB + b)
    plsc.subcore_barrier()

    tbase = sid * ROWS_PER_TILE
    pltpu.sync_copy(acc.at[pl.ds(tbase, ROWS_PER_TILE)],
                    acc_out.at[pl.ds(cid * ACC_N + tbase, ROWS_PER_TILE)])


def _combine_body(a_ref, s_ref, d_ref, b_ref, o_ref):
    acc = a_ref[0:N, :] + a_ref[ACC_N:ACC_N + N, :]
    o_ref[...] = d_ref[...] * (acc + s_ref[...]) + b_ref[...]


def kernel(x, edge_index, weight, bias):
    row = edge_index[0]
    col = edge_index[1]
    npad = E_PAD - E
    seq = jnp.arange(npad, dtype=jnp.int32)
    pad_rows = N + seq % (ACC_N - N)
    pad_cols = seq % N
    row2d = jnp.concatenate([row, pad_rows]).reshape(-1, CH)
    col2d = jnp.concatenate([col, pad_cols]).reshape(-1, CH)

    hist = _deg_hist(row2d)
    h0_col = hist[:N].reshape(N, 1)
    h1_col = hist[ACC_N:ACC_N + N].reshape(N, 1)

    scaled, dinv_col = pl.pallas_call(
        _mm_body,
        out_shape=(jax.ShapeDtypeStruct((N, F), jnp.float32),
                   jax.ShapeDtypeStruct((N, 1), jnp.float32)),
    )(x, weight, h0_col, h1_col)

    accs = _edge_scatter(scaled, row2d, col2d)

    out = pl.pallas_call(
        _combine_body,
        out_shape=jax.ShapeDtypeStruct((N, F), jnp.float32),
    )(accs, scaled, dinv_col, bias.reshape(1, F))
    return out

# --- scband reference (transcript-rebuilt; emitter-appended) ---
"""Pipeline reference for scband-graph-convolution-layer-45801531244895 (READ-ONLY COPY).

The authoritative reference and input builder live on the scoring server;
editing this copy changes nothing except your own understanding.
"""

import jax, jax.numpy as jnp
import numpy as np

N_NODES = 10000
N_EDGES = 320000
IN_F = 128
OUT_F = 128

def setup_inputs(seed: int = 0) -> dict:
    key = jax.random.key(seed)
    k1, k2, k3, k4 = jax.random.split(key, 4)
    x = jax.random.normal(k1, (N_NODES, IN_F), dtype=jnp.float32)
    edge_index = jax.random.randint(k2, (2, N_EDGES), 0, N_NODES, dtype=jnp.int32)
    # kaiming_uniform_(a=sqrt(5)) on [in,out] -> bound = 1/sqrt(fan_in)
    bound = 1.0 / np.sqrt(IN_F)
    weight = jax.random.uniform(k3, (IN_F, OUT_F), minval=-bound, maxval=bound, dtype=jnp.float32)
    bias = jax.random.uniform(k4, (OUT_F,), minval=-bound, maxval=bound, dtype=jnp.float32)
    return {"x": x, "edge_index": edge_index, "weight": weight, "bias": bias}

def reference(x, edge_index, weight, bias):
    num_nodes = x.shape[0]
    loop_index = jnp.arange(num_nodes, dtype=edge_index.dtype)
    loop_index = jnp.stack([loop_index, loop_index], axis=0)
    edge_index = jnp.concatenate([edge_index, loop_index], axis=1)
    row = edge_index[0]
    col = edge_index[1]
    deg = jnp.bincount(row, length=num_nodes).astype(jnp.float32)
    deg_inv_sqrt = deg ** -0.5
    norm = deg_inv_sqrt[row] * deg_inv_sqrt[col]
    support = x @ weight
    gathered = support[col] * norm[:, None]
    out = jnp.zeros((num_nodes, weight.shape[1]), dtype=support.dtype).at[row].add(gathered)
    out = out + bias
    return out

if __name__ == "__main__":
    import jax
    _d = setup_inputs()
    print(jax.jit(kernel)(*tuple(_d.values())))

</pallas_src>

<mosaic_0001>
#map = affine_map<(d0, d1) -> (0, 0)>
#map1 = affine_map<(d0, d1) -> (0)>
module attributes {stable_mosaic.version = 14 : i64} {
  func.func @_deg_hist(%arg0: i32, %arg1: i32, %arg2: memref<2560x128xi32, #tpu.memory_space<hbm>>, %arg3: memref<20480xf32, #tpu.memory_space<hbm>>, %arg4: memref<80x128xi32, #tpu.memory_space<vmem>>, %arg5: memref<128xf32, #tpu.memory_space<vmem>>, %arg6: memref<640xf32, #tpu.memory_space<vmem>>, %arg7: memref<10240xf32, #tpu.memory_space<vmem_shared>>, %arg8: memref<!tpu.dma_semaphore, #tpu.memory_space<semaphore_mem>>) attributes {dimension_semantics = [#tpu.dimension_semantics<core_parallel>, #tpu.dimension_semantics<subcore_parallel>], iteration_bounds = array<i64: 2, 16>, scalar_prefetch = 0 : i64, scratch_operands = 5 : i64, tpu.core_type = #tpu.core_type<sc_vector_subcore>, window_params = [{transform_indices = #map}, {transform_indices = #map1}]} {
    %scan3A = arith.constant 0 : i32
    %scan3A_0 = arith.constant 0 : i32
    %scan3A_1 = arith.constant 8 : i32
    %scan3A_2 = arith.addi %scan3A_0, %scan3A_1 : i32
    %scan3A_3 = arith.constant 1 : i32
    scf.for %scan3A_34 = %scan3A_0 to %scan3A_2 step %scan3A_3  : i32 {
      %broadcast_in_dim3A = arith.constant 1.000000e+00 : f32
      %broadcast_in_dim3A_35 = vector.broadcast %broadcast_in_dim3A : f32 to vector<16xf32>
      %mul3A_36 = arith.constant 16 : i32
      %mul3A_37 = arith.muli %scan3A_34, %mul3A_36 : i32
      %swap3A = arith.index_cast %mul3A_37 : i32 to index
      %swap3A_38 = tpu.vector_load %arg5[%swap3A] {strides = array<i32>} : memref<128xf32, #tpu.memory_space<vmem>>, vector<16xf32>,
      %swap3A_39 = vector.shape_cast %swap3A_38 : vector<16xf32> to vector<16xf32>
      %swap3A_40 = vector.shape_cast %broadcast_in_dim3A_35 : vector<16xf32> to vector<16xf32>
      tpu.vector_store %arg5[%swap3A], %swap3A_40 {strides = array<i32>} : memref<128xf32, #tpu.memory_space<vmem>>, vector<16xf32>,
    }
    %scan3A_4 = arith.constant 8 : i32
    %scan3A_5 = arith.constant 0 : i32
    %scan3A_6 = arith.constant 0 : i32
    %scan3A_7 = arith.constant 40 : i32
    %scan3A_8 = arith.addi %scan3A_6, %scan3A_7 : i32
    %scan3A_9 = arith.constant 1 : i32
    scf.for %scan3A_34 = %scan3A_6 to %scan3A_8 step %scan3A_9  : i32 {
      %broadcast_in_dim3A = arith.constant 0.000000e+00 : f32
      %broadcast_in_dim3A_35 = vector.broadcast %broadcast_in_dim3A : f32 to vector<16xf32>
      %mul3A_36 = arith.constant 16 : i32
      %mul3A_37 = arith.muli %scan3A_34, %mul3A_36 : i32
      %swap3A = arith.index_cast %mul3A_37 : i32 to index
      %swap3A_38 = tpu.vector_load %arg6[%swap3A] {strides = array<i32>} : memref<640xf32, #tpu.memory_space<vmem>>, vector<16xf32>,
      %swap3A_39 = vector.shape_cast %swap3A_38 : vector<16xf32> to vector<16xf32>
      %swap3A_40 = vector.shape_cast %broadcast_in_dim3A_35 : vector<16xf32> to vector<16xf32>
      tpu.vector_store %arg6[%swap3A], %swap3A_40 {strides = array<i32>} : memref<640xf32, #tpu.memory_space<vmem>>, vector<16xf32>,
    }
    %scan3A_10 = arith.constant 40 : i32
    %mul3A = arith.constant 640 : i32
    %mul3A_11 = arith.muli %arg1, %mul3A : i32
    "tpu.region"() ({
      %run_scoped3A = tpu.sem_alloc : memref<!tpu.dma_semaphore, #tpu.memory_space<semaphore_mem>>
      %dma_start3A = tpu.memref_slice %arg7[%mul3A_11] : memref<10240xf32, #tpu.memory_space<vmem_shared>> -> memref<640xf32, #tpu.memory_space<vmem_shared>>
      %dma_start3A_34 = tpu.memref_slice %arg7[%mul3A_11] : memref<10240xf32, #tpu.memory_space<vmem_shared>> -> memref<640xf32, #tpu.memory_space<vmem_shared>>
      tpu.enqueue_dma source(%arg6 : memref<640xf32, #tpu.memory_space<vmem>>) target(%dma_start3A_34 : memref<640xf32, #tpu.memory_space<vmem_shared>>) target_semaphore(%run_scoped3A : memref<!tpu.dma_semaphore, #tpu.memory_space<semaphore_mem>>)
      %dma_wait3A = tpu.memref_slice %arg7[%mul3A_11] : memref<10240xf32, #tpu.memory_space<vmem_shared>> -> memref<640xf32, #tpu.memory_space<vmem_shared>>
      %dma_wait3A_35 = tpu.memref_slice %arg7[%mul3A_11] : memref<10240xf32, #tpu.memory_space<vmem_shared>> -> memref<640xf32, #tpu.memory_space<vmem_shared>>
      tpu.wait_dma2 semaphore(%run_scoped3A : memref<!tpu.dma_semaphore, #tpu.memory_space<semaphore_mem>>) src(%arg6 : memref<640xf32, #tpu.memory_space<vmem>>) dst(%dma_wait3A_35 : memref<640xf32, #tpu.memory_space<vmem_shared>>)
      tpu.yield
    }) : () -> ()
    %mul3A_12 = arith.constant 16 : i32
    %mul3A_13 = arith.muli %arg0, %mul3A_12 : i32
    %add3A = arith.addi %mul3A_13, %arg1 : i32
    %mul3A_14 = arith.constant 80 : i32
    %mul3A_15 = arith.muli %add3A, %mul3A_14 : i32
    "tpu.region"() ({
      %run_scoped3A = tpu.sem_alloc : memref<!tpu.dma_semaphore, #tpu.memory_space<semaphore_mem>>
      %dma_start3A = arith.constant 0 : i32
      %dma_start3A_34 = tpu.memref_slice %arg2[%mul3A_15, %dma_start3A] : memref<2560x128xi32, #tpu.memory_space<hbm>> -> memref<80x128xi32, #tpu.memory_space<hbm>>
      %dma_start3A_35 = arith.constant 0 : i32
      %dma_start3A_36 = tpu.memref_slice %arg2[%mul3A_15, %dma_start3A_35] : memref<2560x128xi32, #tpu.memory_space<hbm>> -> memref<80x128xi32, #tpu.memory_space<hbm>>
      tpu.enqueue_dma source(%dma_start3A_36 : memref<80x128xi32, #tpu.memory_space<hbm>>) target(%arg4 : memref<80x128xi32, #tpu.memory_space<vmem>>) target_semaphore(%run_scoped3A : memref<!tpu.dma_semaphore, #tpu.memory_space<semaphore_mem>>)
      %dma_wait3A = arith.constant 0 : i32
      %dma_wait3A_37 = tpu.memref_slice %arg2[%mul3A_15, %dma_wait3A] : memref<2560x128xi32, #tpu.memory_space<hbm>> -> memref<80x128xi32, #tpu.memory_space<hbm>>
      %dma_wait3A_38 = arith.constant 0 : i32
      %dma_wait3A_39 = tpu.memref_slice %arg2[%mul3A_15, %dma_wait3A_38] : memref<2560x128xi32, #tpu.memory_space<hbm>> -> memref<80x128xi32, #tpu.memory_space<hbm>>
      tpu.wait_dma2 semaphore(%run_scoped3A : memref<!tpu.dma_semaphore, #tpu.memory_space<semaphore_mem>>) src(%dma_wait3A_39 : memref<80x128xi32, #tpu.memory_space<hbm>>) dst(%arg4 : memref<80x128xi32, #tpu.memory_space<vmem>>)
      tpu.yield
    }) : () -> ()
    %barrier3A = arith.constant 0 : index
    tpu.barrier barrier_id(%barrier3A)
    %scan3A_16 = arith.constant 0 : i32
    %scan3A_17 = arith.constant 0 : i32
    %scan3A_18 = arith.constant 80 : i32
    %scan3A_19 = arith.addi %scan3A_17, %scan3A_18 : i32
    %scan3A_20 = arith.constant 1 : i32
    scf.for %scan3A_34 = %scan3A_17 to %scan3A_19 step %scan3A_20  : i32 {
      %dma_start3A = arith.constant 0 : i32
      %dma_start3A_35 = tpu.memref_slice %arg4[%scan3A_34, %dma_start3A] : memref<80x128xi32, #tpu.memory_space<vmem>> -> memref<1x128xi32, #tpu.memory_space<vmem>>
      %dma_start3A_36 = tpu.memref_squeeze %dma_start3A_35 : memref<1x128xi32, #tpu.memory_space<vmem>> -> memref<128xi32, #tpu.memory_space<vmem>>
      %dma_start3A_37 = arith.constant 0 : i32
      %dma_start3A_38 = tpu.memref_slice %arg7[%dma_start3A_37] : memref<10240xf32, #tpu.memory_space<vmem_shared>> -> memref<10240xf32, #tpu.memory_space<vmem_shared>>
      tpu.enqueue_indirect_dma source(%arg5 : memref<128xf32, #tpu.memory_space<vmem>>) target(%dma_start3A_38 : memref<10240xf32, #tpu.memory_space<vmem_shared>>) offsets(%dma_start3A_36 : memref<128xi32, #tpu.memory_space<vmem>>) semaphore(%arg8 : memref<!tpu.dma_semaphore, #tpu.memory_space<semaphore_mem>>) {add = true}
      %ge3A = arith.constant 8 : i32
      %ge3A_39 = arith.cmpi sge, %scan3A_34, %ge3A : i32
      %convert_element_type3A = arith.extui %ge3A_39 : i1 to i32
      %cond3A = arith.constant 0 : i32
      %cond3A_40 = arith.cmpi ne, %convert_element_type3A, %cond3A : i32
      scf.if %cond3A_40 {
        %sub3A = arith.constant 8 : i32
        %sub3A_41 = arith.subi %scan3A_34, %sub3A : i32
        %dma_wait3A = arith.constant 0 : i32
        %dma_wait3A_42 = tpu.memref_slice %arg4[%sub3A_41, %dma_wait3A] : memref<80x128xi32, #tpu.memory_space<vmem>> -> memref<1x128xi32, #tpu.memory_space<vmem>>
        %dma_wait3A_43 = tpu.memref_squeeze %dma_wait3A_42 : memref<1x128xi32, #tpu.memory_space<vmem>> -> memref<128xi32, #tpu.memory_space<vmem>>
        %dma_wait3A_44 = arith.constant 0 : i32
        %dma_wait3A_45 = tpu.memref_slice %arg7[%dma_wait3A_44] : memref<10240xf32, #tpu.memory_space<vmem_shared>> -> memref<10240xf32, #tpu.memory_space<vmem_shared>>
        tpu.wait_indirect_dma semaphore(%arg8 : memref<!tpu.dma_semaphore, #tpu.memory_space<semaphore_mem>>) src(%arg5 : memref<128xf32, #tpu.memory_space<vmem>>) dst(%dma_wait3A_45 : memref<10240xf32, #tpu.memory_space<vmem_shared>>)
      } else {
      }
    }
    %scan3A_21 = arith.constant 80 : i32
    %scan3A_22 = arith.constant 0 : i32
    %scan3A_23 = arith.constant 72 : i32
    %scan3A_24 = arith.constant 8 : i32
    %scan3A_25 = arith.addi %scan3A_23, %scan3A_24 : i32
    %scan3A_26 = arith.constant 1 : i32
    scf.for %scan3A_34 = %scan3A_23 to %scan3A_25 step %scan3A_26  : i32 {
      %dma_wait3A = arith.constant 0 : i32
      %dma_wait3A_35 = tpu.memref_slice %arg4[%scan3A_34, %dma_wait3A] : memref<80x128xi32, #tpu.memory_space<vmem>> -> memref<1x128xi32, #tpu.memory_space<vmem>>
      %dma_wait3A_36 = tpu.memref_squeeze %dma_wait3A_35 : memref<1x128xi32, #tpu.memory_space<vmem>> -> memref<128xi32, #tpu.memory_space<vmem>>
      %dma_wait3A_37 = arith.constant 0 : i32
      %dma_wait3A_38 = tpu.memref_slice %arg7[%dma_wait3A_37] : memref<10240xf32, #tpu.memory_space<vmem_shared>> -> memref<10240xf32, #tpu.memory_space<vmem_shared>>
      tpu.wait_indirect_dma semaphore(%arg8 : memref<!tpu.dma_semaphore, #tpu.memory_space<semaphore_mem>>) src(%arg5 : memref<128xf32, #tpu.memory_space<vmem>>) dst(%dma_wait3A_38 : memref<10240xf32, #tpu.memory_space<vmem_shared>>)
    }
    %scan3A_27 = arith.constant 8 : i32
    %barrier3A_28 = arith.constant 0 : index
    tpu.barrier barrier_id(%barrier3A_28)
    %mul3A_29 = arith.constant 640 : i32
    %mul3A_30 = arith.muli %arg1, %mul3A_29 : i32
    %mul3A_31 = arith.constant 10240 : i32
    %mul3A_32 = arith.muli %arg0, %mul3A_31 : i32
    %add3A_33 = arith.addi %mul3A_32, %mul3A_30 : i32
    "tpu.region"() ({
      %run_scoped3A = tpu.sem_alloc : memref<!tpu.dma_semaphore, #tpu.memory_space<semaphore_mem>>
      %dma_start3A = tpu.memref_slice %arg3[%add3A_33] : memref<20480xf32, #tpu.memory_space<hbm>> -> memref<640xf32, #tpu.memory_space<hbm>>
      %dma_start3A_34 = tpu.memref_slice %arg7[%mul3A_30] : memref<10240xf32, #tpu.memory_space<vmem_shared>> -> memref<640xf32, #tpu.memory_space<vmem_shared>>
      tpu.enqueue_dma source(%dma_start3A_34 : memref<640xf32, #tpu.memory_space<vmem_shared>>) target(%dma_start3A : memref<640xf32, #tpu.memory_space<hbm>>) target_semaphore(%run_scoped3A : memref<!tpu.dma_semaphore, #tpu.memory_space<semaphore_mem>>)
      %dma_wait3A = tpu.memref_slice %arg3[%add3A_33] : memref<20480xf32, #tpu.memory_space<hbm>> -> memref<640xf32, #tpu.memory_space<hbm>>
      %dma_wait3A_35 = tpu.memref_slice %arg7[%mul3A_30] : memref<10240xf32, #tpu.memory_space<vmem_shared>> -> memref<640xf32, #tpu.memory_space<vmem_shared>>
      tpu.wait_dma2 semaphore(%run_scoped3A : memref<!tpu.dma_semaphore, #tpu.memory_space<semaphore_mem>>) src(%dma_wait3A_35 : memref<640xf32, #tpu.memory_space<vmem_shared>>) dst(%dma_wait3A : memref<640xf32, #tpu.memory_space<hbm>>)
      tpu.yield
    }) : () -> ()
    return
  }
}

#map = affine_map<(d0, d1) -> (0, 0)>
module attributes {stable_mosaic.version = 14 : i64} {
  func.func @_edge_scatter(%arg0: i32, %arg1: i32, %arg2: memref<10000x128xf32, #tpu.memory_space<hbm>>, %arg3: memref<2560x128xi32, #tpu.memory_space<hbm>>, %arg4: memref<2560x128xi32, #tpu.memory_space<hbm>>, %arg5: memref<20480x128xf32, #tpu.memory_space<hbm>>, %arg6: memref<32x128xi32, #tpu.memory_space<vmem>>, %arg7: memref<32x128xi32, #tpu.memory_space<vmem>>, %arg8: memref<128x128xf32, #tpu.memory_space<vmem>>, %arg9: memref<128x128xf32, #tpu.memory_space<vmem>>, %arg10: memref<10240x128xf32, #tpu.memory_space<vmem_shared>>, %arg11: memref<!tpu.dma_semaphore, #tpu.memory_space<semaphore_mem>>, %arg12: memref<!tpu.dma_semaphore, #tpu.memory_space<semaphore_mem>>, %arg13: memref<!tpu.dma_semaphore, #tpu.memory_space<semaphore_mem>>, %arg14: memref<!tpu.dma_semaphore, #tpu.memory_space<semaphore_mem>>, %arg15: memref<!tpu.dma_semaphore, #tpu.memory_space<semaphore_mem>>) attributes {dimension_semantics = [#tpu.dimension_semantics<core_parallel>, #tpu.dimension_semantics<subcore_parallel>], iteration_bounds = array<i64: 2, 16>, scalar_prefetch = 0 : i64, scratch_operands = 10 : i64, tpu.core_type = #tpu.core_type<sc_vector_subcore>, window_params = [{transform_indices = #map}, {transform_indices = #map}, {transform_indices = #map}, {transform_indices = #map}]} {
    %mul3A = arith.constant 2 : i32
    %mul3A_0 = arith.muli %arg1, %mul3A : i32
    %add3A = arith.addi %mul3A_0, %arg0 : i32
    %mul3A_1 = arith.constant 80 : i32
    %mul3A_2 = arith.muli %add3A, %mul3A_1 : i32
    %scan3A = arith.constant 0 : i32
    %scan3A_3 = arith.constant 0 : i32
    %scan3A_4 = arith.constant 128 : i32
    %scan3A_5 = arith.addi %scan3A_3, %scan3A_4 : i32
    %scan3A_6 = arith.constant 1 : i32
    scf.for %scan3A_120 = %scan3A_3 to %scan3A_5 step %scan3A_6  : i32 {
      %broadcast_in_dim3A = arith.constant 0.000000e+00 : f32
      %broadcast_in_dim3A_121 = vector.broadcast %broadcast_in_dim3A : f32 to vector<16xf32>
      %swap3A = arith.index_cast %scan3A_120 : i32 to index
      %swap3A_122 = arith.constant 0 : index
      %swap3A_123 = tpu.vector_load %arg8[%swap3A, %swap3A_122] {strides = array<i32>} : memref<128x128xf32, #tpu.memory_space<vmem>>, vector<1x16xf32>,
      %swap3A_124 = vector.shape_cast %swap3A_123 : vector<1x16xf32> to vector<16xf32>
      %swap3A_125 = vector.shape_cast %broadcast_in_dim3A_121 : vector<16xf32> to vector<1x16xf32>
      tpu.vector_store %arg8[%swap3A, %swap3A_122], %swap3A_125 {strides = array<i32>} : memref<128x128xf32, #tpu.memory_space<vmem>>, vector<1x16xf32>,
      %broadcast_in_dim3A_126 = arith.constant 0.000000e+00 : f32
      %broadcast_in_dim3A_127 = vector.broadcast %broadcast_in_dim3A_126 : f32 to vector<16xf32>
      %swap3A_128 = arith.index_cast %scan3A_120 : i32 to index
      %swap3A_129 = arith.constant 16 : index
      %swap3A_130 = tpu.vector_load %arg8[%swap3A_128, %swap3A_129] {strides = array<i32>} : memref<128x128xf32, #tpu.memory_space<vmem>>, vector<1x16xf32>,
      %swap3A_131 = vector.shape_cast %swap3A_130 : vector<1x16xf32> to vector<16xf32>
      %swap3A_132 = vector.shape_cast %broadcast_in_dim3A_127 : vector<16xf32> to vector<1x16xf32>
      tpu.vector_store %arg8[%swap3A_128, %swap3A_129], %swap3A_132 {strides = array<i32>} : memref<128x128xf32, #tpu.memory_space<vmem>>, vector<1x16xf32>,
      %broadcast_in_dim3A_133 = arith.constant 0.000000e+00 : f32
      %broadcast_in_dim3A_134 = vector.broadcast %broadcast_in_dim3A_133 : f32 to vector<16xf32>
      %swap3A_135 = arith.index_cast %scan3A_120 : i32 to index
      %swap3A_136 = arith.constant 32 : index
      %swap3A_137 = tpu.vector_load %arg8[%swap3A_135, %swap3A_136] {strides = array<i32>} : memref<128x128xf32, #tpu.memory_space<vmem>>, vector<1x16xf32>,
      %swap3A_138 = vector.shape_cast %swap3A_137 : vector<1x16xf32> to vector<16xf32>
      %swap3A_139 = vector.shape_cast %broadcast_in_dim3A_134 : vector<16xf32> to vector<1x16xf32>
      tpu.vector_store %arg8[%swap3A_135, %swap3A_136], %swap3A_139 {strides = array<i32>} : memref<128x128xf32, #tpu.memory_space<vmem>>, vector<1x16xf32>,
      %broadcast_in_dim3A_140 = arith.constant 0.000000e+00 : f32
      %broadcast_in_dim3A_141 = vector.broadcast %broadcast_in_dim3A_140 : f32 to vector<16xf32>
      %swap3A_142 = arith.index_cast %scan3A_120 : i32 to index
      %swap3A_143 = arith.constant 48 : index
      %swap3A_144 = tpu.vector_load %arg8[%swap3A_142, %swap3A_143] {strides = array<i32>} : memref<128x128xf32, #tpu.memory_space<vmem>>, vector<1x16xf32>,
      %swap3A_145 = vector.shape_cast %swap3A_144 : vector<1x16xf32> to vector<16xf32>
      %swap3A_146 = vector.shape_cast %broadcast_in_dim3A_141 : vector<16xf32> to vector<1x16xf32>
      tpu.vector_store %arg8[%swap3A_142, %swap3A_143], %swap3A_146 {strides = array<i32>} : memref<128x128xf32, #tpu.memory_space<vmem>>, vector<1x16xf32>,
      %broadcast_in_dim3A_147 = arith.constant 0.000000e+00 : f32
      %broadcast_in_dim3A_148 = vector.broadcast %broadcast_in_dim3A_147 : f32 to vector<16xf32>
      %swap3A_149 = arith.index_cast %scan3A_120 : i32 to index
      %swap3A_150 = arith.constant 64 : index
      %swap3A_151 = tpu.vector_load %arg8[%swap3A_149, %swap3A_150] {strides = array<i32>} : memref<128x128xf32, #tpu.memory_space<vmem>>, vector<1x16xf32>,
      %swap3A_152 = vector.shape_cast %swap3A_151 : vector<1x16xf32> to vector<16xf32>
      %swap3A_153 = vector.shape_cast %broadcast_in_dim3A_148 : vector<16xf32> to vector<1x16xf32>
      tpu.vector_store %arg8[%swap3A_149, %swap3A_150], %swap3A_153 {strides = array<i32>} : memref<128x128xf32, #tpu.memory_space<vmem>>, vector<1x16xf32>,
      %broadcast_in_dim3A_154 = arith.constant 0.000000e+00 : f32
      %broadcast_in_dim3A_155 = vector.broadcast %broadcast_in_dim3A_154 : f32 to vector<16xf32>
      %swap3A_156 = arith.index_cast %scan3A_120 : i32 to index
      %swap3A_157 = arith.constant 80 : index
      %swap3A_158 = tpu.vector_load %arg8[%swap3A_156, %swap3A_157] {strides = array<i32>} : memref<128x128xf32, #tpu.memory_space<vmem>>, vector<1x16xf32>,
      %swap3A_159 = vector.shape_cast %swap3A_158 : vector<1x16xf32> to vector<16xf32>
      %swap3A_160 = vector.shape_cast %broadcast_in_dim3A_155 : vector<16xf32> to vector<1x16xf32>
      tpu.vector_store %arg8[%swap3A_156, %swap3A_157], %swap3A_160 {strides = array<i32>} : memref<128x128xf32, #tpu.memory_space<vmem>>, vector<1x16xf32>,
      %broadcast_in_dim3A_161 = arith.constant 0.000000e+00 : f32
      %broadcast_in_dim3A_162 = vector.broadcast %broadcast_in_dim3A_161 : f32 to vector<16xf32>
      %swap3A_163 = arith.index_cast %scan3A_120 : i32 to index
      %swap3A_164 = arith.constant 96 : index
      %swap3A_165 = tpu.vector_load %arg8[%swap3A_163, %swap3A_164] {strides = array<i32>} : memref<128x128xf32, #tpu.memory_space<vmem>>, vector<1x16xf32>,
      %swap3A_166 = vector.shape_cast %swap3A_165 : vector<1x16xf32> to vector<16xf32>
      %swap3A_167 = vector.shape_cast %broadcast_in_dim3A_162 : vector<16xf32> to vector<1x16xf32>
      tpu.vector_store %arg8[%swap3A_163, %swap3A_164], %swap3A_167 {strides = array<i32>} : memref<128x128xf32, #tpu.memory_space<vmem>>, vector<1x16xf32>,
      %broadcast_in_dim3A_168 = arith.constant 0.000000e+00 : f32
      %broadcast_in_dim3A_169 = vector.broadcast %broadcast_in_dim3A_168 : f32 to vector<16xf32>
      %swap3A_170 = arith.index_cast %scan3A_120 : i32 to index
      %swap3A_171 = arith.constant 112 : index
      %swap3A_172 = tpu.vector_load %arg8[%swap3A_170, %swap3A_171] {strides = array<i32>} : memref<128x128xf32, #tpu.memory_space<vmem>>, vector<1x16xf32>,
      %swap3A_173 = vector.shape_cast %swap3A_172 : vector<1x16xf32> to vector<16xf32>
      %swap3A_174 = vector.shape_cast %broadcast_in_dim3A_169 : vector<16xf32> to vector<1x16xf32>
      tpu.vector_store %arg8[%swap3A_170, %swap3A_171], %swap3A_174 {strides = array<i32>} : memref<128x128xf32, #tpu.memory_space<vmem>>, vector<1x16xf32>,
    }
    %scan3A_7 = arith.constant 128 : i32
    %scan3A_8 = arith.constant 0 : i32
    %scan3A_9 = arith.constant 0 : i32
    %scan3A_10 = arith.constant 5 : i32
    %scan3A_11 = arith.addi %scan3A_9, %scan3A_10 : i32
    %scan3A_12 = arith.constant 1 : i32
    scf.for %scan3A_120 = %scan3A_9 to %scan3A_11 step %scan3A_12  : i32 {
      %mul3A_121 = arith.constant 640 : i32
      %mul3A_122 = arith.muli %arg1, %mul3A_121 : i32
      %mul3A_123 = arith.constant 128 : i32
      %mul3A_124 = arith.muli %scan3A_120, %mul3A_123 : i32
      %add3A_125 = arith.addi %mul3A_122, %mul3A_124 : i32
      "tpu.region"() ({
        %run_scoped3A = tpu.sem_alloc : memref<!tpu.dma_semaphore, #tpu.memory_space<semaphore_mem>>
        %dma_start3A_126 = arith.constant 0 : i32
        %dma_start3A_127 = tpu.memref_slice %arg10[%add3A_125, %dma_start3A_126] : memref<10240x128xf32, #tpu.memory_space<vmem_shared>> -> memref<128x128xf32, #tpu.memory_space<vmem_shared>>
        %dma_start3A_128 = arith.constant 0 : i32
        %dma_start3A_129 = tpu.memref_slice %arg10[%add3A_125, %dma_start3A_128] : memref<10240x128xf32, #tpu.memory_space<vmem_shared>> -> memref<128x128xf32, #tpu.memory_space<vmem_shared>>
        tpu.enqueue_dma source(%arg8 : memref<128x128xf32, #tpu.memory_space<vmem>>) target(%dma_start3A_129 : memref<128x128xf32, #tpu.memory_space<vmem_shared>>) target_semaphore(%run_scoped3A : memref<!tpu.dma_semaphore, #tpu.memory_space<semaphore_mem>>)
        %dma_wait3A_130 = arith.constant 0 : i32
        %dma_wait3A_131 = tpu.memref_slice %arg10[%add3A_125, %dma_wait3A_130] : memref<10240x128xf32, #tpu.memory_space<vmem_shared>> -> memref<128x128xf32, #tpu.memory_space<vmem_shared>>
        %dma_wait3A_132 = arith.constant 0 : i32
        %dma_wait3A_133 = tpu.memref_slice %arg10[%add3A_125, %dma_wait3A_132] : memref<10240x128xf32, #tpu.memory_space<vmem_shared>> -> memref<128x128xf32, #tpu.memory_space<vmem_shared>>
        tpu.wait_dma2 semaphore(%run_scoped3A : memref<!tpu.dma_semaphore, #tpu.memory_space<semaphore_mem>>) src(%arg8 : memref<128x128xf32, #tpu.memory_space<vmem>>) dst(%dma_wait3A_133 : memref<128x128xf32, #tpu.memory_space<vmem_shared>>)
        tpu.yield
      }) : () -> ()
    }
    %scan3A_13 = arith.constant 5 : i32
    "tpu.region"() ({
      %run_scoped3A = tpu.sem_alloc : memref<!tpu.dma_semaphore, #tpu.memory_space<semaphore_mem>>
      %dma_start3A_120 = arith.constant 0 : i32
      %dma_start3A_121 = arith.constant 0 : i32
      %dma_start3A_122 = tpu.memref_slice %arg6[%dma_start3A_120, %dma_start3A_121] : memref<32x128xi32, #tpu.memory_space<vmem>> -> memref<16x128xi32, #tpu.memory_space<vmem>>
      %dma_start3A_123 = arith.constant 0 : i32
      %dma_start3A_124 = tpu.memref_slice %arg4[%mul3A_2, %dma_start3A_123] : memref<2560x128xi32, #tpu.memory_space<hbm>> -> memref<16x128xi32, #tpu.memory_space<hbm>>
      %dma_start3A_125 = arith.constant 0 : i32
      %dma_start3A_126 = arith.constant 0 : i32
      %dma_start3A_127 = tpu.memref_slice %arg6[%dma_start3A_125, %dma_start3A_126] : memref<32x128xi32, #tpu.memory_space<vmem>> -> memref<16x128xi32, #tpu.memory_space<vmem>>
      %dma_start3A_128 = arith.constant 0 : i32
      %dma_start3A_129 = tpu.memref_slice %arg4[%mul3A_2, %dma_start3A_128] : memref<2560x128xi32, #tpu.memory_space<hbm>> -> memref<16x128xi32, #tpu.memory_space<hbm>>
      tpu.enqueue_dma source(%dma_start3A_129 : memref<16x128xi32, #tpu.memory_space<hbm>>) target(%dma_start3A_127 : memref<16x128xi32, #tpu.memory_space<vmem>>) target_semaphore(%run_scoped3A : memref<!tpu.dma_semaphore, #tpu.memory_space<semaphore_mem>>)
      %dma_wait3A_130 = arith.constant 0 : i32
      %dma_wait3A_131 = arith.constant 0 : i32
      %dma_wait3A_132 = tpu.memref_slice %arg6[%dma_wait3A_130, %dma_wait3A_131] : memref<32x128xi32, #tpu.memory_space<vmem>> -> memref<16x128xi32, #tpu.memory_space<vmem>>
      %dma_wait3A_133 = arith.constant 0 : i32
      %dma_wait3A_134 = tpu.memref_slice %arg4[%mul3A_2, %dma_wait3A_133] : memref<2560x128xi32, #tpu.memory_space<hbm>> -> memref<16x128xi32, #tpu.memory_space<hbm>>
      %dma_wait3A_135 = arith.constant 0 : i32
      %dma_wait3A_136 = arith.constant 0 : i32
      %dma_wait3A_137 = tpu.memref_slice %arg6[%dma_wait3A_135, %dma_wait3A_136] : memref<32x128xi32, #tpu.memory_space<vmem>> -> memref<16x128xi32, #tpu.memory_space<vmem>>
      %dma_wait3A_138 = arith.constant 0 : i32
      %dma_wait3A_139 = tpu.memref_slice %arg4[%mul3A_2, %dma_wait3A_138] : memref<2560x128xi32, #tpu.memory_space<hbm>> -> memref<16x128xi32, #tpu.memory_space<hbm>>
      tpu.wait_dma2 semaphore(%run_scoped3A : memref<!tpu.dma_semaphore, #tpu.memory_space<semaphore_mem>>) src(%dma_wait3A_139 : memref<16x128xi32, #tpu.memory_space<hbm>>) dst(%dma_wait3A_137 : memref<16x128xi32, #tpu.memory_space<vmem>>)
      tpu.yield
    }) : () -> ()
    "tpu.region"() ({
      %run_scoped3A = tpu.sem_alloc : memref<!tpu.dma_semaphore, #tpu.memory_space<semaphore_mem>>
      %dma_start3A_120 = arith.constant 0 : i32
      %dma_start3A_121 = arith.constant 0 : i32
      %dma_start3A_122 = tpu.memref_slice %arg7[%dma_start3A_120, %dma_start3A_121] : memref<32x128xi32, #tpu.memory_space<vmem>> -> memref<16x128xi32, #tpu.memory_space<vmem>>
      %dma_start3A_123 = arith.constant 0 : i32
      %dma_start3A_124 = tpu.memref_slice %arg3[%mul3A_2, %dma_start3A_123] : memref<2560x128xi32, #tpu.memory_space<hbm>> -> memref<16x128xi32, #tpu.memory_space<hbm>>
      %dma_start3A_125 = arith.constant 0 : i32
      %dma_start3A_126 = arith.constant 0 : i32
      %dma_start3A_127 = tpu.memref_slice %arg7[%dma_start3A_125, %dma_start3A_126] : memref<32x128xi32, #tpu.memory_space<vmem>> -> memref<16x128xi32, #tpu.memory_space<vmem>>
      %dma_start3A_128 = arith.constant 0 : i32
      %dma_start3A_129 = tpu.memref_slice %arg3[%mul3A_2, %dma_start3A_128] : memref<2560x128xi32, #tpu.memory_space<hbm>> -> memref<16x128xi32, #tpu.memory_space<hbm>>
      tpu.enqueue_dma source(%dma_start3A_129 : memref<16x128xi32, #tpu.memory_space<hbm>>) target(%dma_start3A_127 : memref<16x128xi32, #tpu.memory_space<vmem>>) target_semaphore(%run_scoped3A : memref<!tpu.dma_semaphore, #tpu.memory_space<semaphore_mem>>)
      %dma_wait3A_130 = arith.constant 0 : i32
      %dma_wait3A_131 = arith.constant 0 : i32
      %dma_wait3A_132 = tpu.memref_slice %arg7[%dma_wait3A_130, %dma_wait3A_131] : memref<32x128xi32, #tpu.memory_space<vmem>> -> memref<16x128xi32, #tpu.memory_space<vmem>>
      %dma_wait3A_133 = arith.constant 0 : i32
      %dma_wait3A_134 = tpu.memref_slice %arg3[%mul3A_2, %dma_wait3A_133] : memref<2560x128xi32, #tpu.memory_space<hbm>> -> memref<16x128xi32, #tpu.memory_space<hbm>>
      %dma_wait3A_135 = arith.constant 0 : i32
      %dma_wait3A_136 = arith.constant 0 : i32
      %dma_wait3A_137 = tpu.memref_slice %arg7[%dma_wait3A_135, %dma_wait3A_136] : memref<32x128xi32, #tpu.memory_space<vmem>> -> memref<16x128xi32, #tpu.memory_space<vmem>>
      %dma_wait3A_138 = arith.constant 0 : i32
      %dma_wait3A_139 = tpu.memref_slice %arg3[%mul3A_2, %dma_wait3A_138] : memref<2560x128xi32, #tpu.memory_space<hbm>> -> memref<16x128xi32, #tpu.memory_space<hbm>>
      tpu.wait_dma2 semaphore(%run_scoped3A : memref<!tpu.dma_semaphore, #tpu.memory_space<semaphore_mem>>) src(%dma_wait3A_139 : memref<16x128xi32, #tpu.memory_space<hbm>>) dst(%dma_wait3A_137 : memref<16x128xi32, #tpu.memory_space<vmem>>)
      tpu.yield
    }) : () -> ()
    %rem3A = arith.constant 1 : i32
    %rem3A_14 = arith.constant 2 : i32
    %rem3A_15 = arith.remsi %rem3A, %rem3A_14 : i32
    %mul3A_16 = arith.constant 16 : i32
    %mul3A_17 = arith.muli %rem3A_15, %mul3A_16 : i32
    %add3A_18 = arith.constant 16 : i32
    %add3A_19 = arith.addi %mul3A_2, %add3A_18 : i32
    %dma_start3A = arith.constant 0 : i32
    %dma_start3A_20 = tpu.memref_slice %arg6[%mul3A_17, %dma_start3A] : memref<32x128xi32, #tpu.memory_space<vmem>> -> memref<16x128xi32, #tpu.memory_space<vmem>>
    %dma_start3A_21 = arith.constant 0 : i32
    %dma_start3A_22 = tpu.memref_slice %arg4[%add3A_19, %dma_start3A_21] : memref<2560x128xi32, #tpu.memory_space<hbm>> -> memref<16x128xi32, #tpu.memory_space<hbm>>
    %dma_start3A_23 = arith.constant 0 : i32
    %dma_start3A_24 = tpu.memref_slice %arg6[%mul3A_17, %dma_start3A_23] : memref<32x128xi32, #tpu.memory_space<vmem>> -> memref<16x128xi32, #tpu.memory_space<vmem>>
    %dma_start3A_25 = arith.constant 0 : i32
    %dma_start3A_26 = tpu.memref_slice %arg4[%add3A_19, %dma_start3A_25] : memref<2560x128xi32, #tpu.memory_space<hbm>> -> memref<16x128xi32, #tpu.memory_space<hbm>>
    tpu.enqueue_dma source(%dma_start3A_26 : memref<16x128xi32, #tpu.memory_space<hbm>>) target(%dma_start3A_24 : memref<16x128xi32, #tpu.memory_space<vmem>>) target_semaphore(%arg15 : memref<!tpu.dma_semaphore, #tpu.memory_space<semaphore_mem>>)
    %add3A_27 = arith.constant 16 : i32
    %add3A_28 = arith.addi %mul3A_2, %add3A_27 : i32
    %dma_start3A_29 = arith.constant 0 : i32
    %dma_start3A_30 = tpu.memref_slice %arg7[%mul3A_17, %dma_start3A_29] : memref<32x128xi32, #tpu.memory_space<vmem>> -> memref<16x128xi32, #tpu.memory_space<vmem>>
    %dma_start3A_31 = arith.constant 0 : i32
    %dma_start3A_32 = tpu.memref_slice %arg3[%add3A_28, %dma_start3A_31] : memref<2560x128xi32, #tpu.memory_space<hbm>> -> memref<16x128xi32, #tpu.memory_space<hbm>>
    %dma_start3A_33 = arith.constant 0 : i32
    %dma_start3A_34 = tpu.memref_slice %arg7[%mul3A_17, %dma_start3A_33] : memref<32x128xi32, #tpu.memory_space<vmem>> -> memref<16x128xi32, #tpu.memory_space<vmem>>
    %dma_start3A_35 = arith.constant 0 : i32
    %dma_start3A_36 = tpu.memref_slice %arg3[%add3A_28, %dma_start3A_35] : memref<2560x128xi32, #tpu.memory_space<hbm>> -> memref<16x128xi32, #tpu.memory_space<hbm>>
    tpu.enqueue_dma source(%dma_start3A_36 : memref<16x128xi32, #tpu.memory_space<hbm>>) target(%dma_start3A_34 : memref<16x128xi32, #tpu.memory_space<vmem>>) target_semaphore(%arg15 : memref<!tpu.dma_semaphore, #tpu.memory_space<semaphore_mem>>)
    %barrier3A = arith.constant 0 : index
    tpu.barrier barrier_id(%barrier3A)
    %rem3A_37 = arith.constant 0 : i32
    %rem3A_38 = arith.constant 32 : i32
    %rem3A_39 = arith.remsi %rem3A_37, %rem3A_38 : i32
    %dma_start3A_40 = arith.constant 0 : i32
    %dma_start3A_41 = tpu.memref_slice %arg6[%rem3A_39, %dma_start3A_40] : memref<32x128xi32, #tpu.memory_space<vmem>> -> memref<1x128xi32, #tpu.memory_space<vmem>>
    %dma_start3A_42 = tpu.memref_squeeze %dma_start3A_41 : memref<1x128xi32, #tpu.memory_space<vmem>> -> memref<128xi32, #tpu.memory_space<vmem>>
    %dma_start3A_43 = arith.constant 0 : i32
    %dma_start3A_44 = arith.constant 0 : i32
    %dma_start3A_45 = tpu.memref_slice %arg2[%dma_start3A_43, %dma_start3A_44] : memref<10000x128xf32, #tpu.memory_space<hbm>> -> memref<10000x128xf32, #tpu.memory_space<hbm>>
    tpu.enqueue_indirect_dma source(%dma_start3A_45 : memref<10000x128xf32, #tpu.memory_space<hbm>>) target(%arg8 : memref<128x128xf32, #tpu.memory_space<vmem>>) offsets(%dma_start3A_42 : memref<128xi32, #tpu.memory_space<vmem>>) semaphore(%arg11 : memref<!tpu.dma_semaphore, #tpu.memory_space<semaphore_mem>>)
    %rem3A_46 = arith.constant 1 : i32
    %rem3A_47 = arith.constant 32 : i32
    %rem3A_48 = arith.remsi %rem3A_46, %rem3A_47 : i32
    %dma_start3A_49 = arith.constant 0 : i32
    %dma_start3A_50 = tpu.memref_slice %arg6[%rem3A_48, %dma_start3A_49] : memref<32x128xi32, #tpu.memory_space<vmem>> -> memref<1x128xi32, #tpu.memory_space<vmem>>
    %dma_start3A_51 = tpu.memref_squeeze %dma_start3A_50 : memref<1x128xi32, #tpu.memory_space<vmem>> -> memref<128xi32, #tpu.memory_space<vmem>>
    %dma_start3A_52 = arith.constant 0 : i32
    %dma_start3A_53 = arith.constant 0 : i32
    %dma_start3A_54 = tpu.memref_slice %arg2[%dma_start3A_52, %dma_start3A_53] : memref<10000x128xf32, #tpu.memory_space<hbm>> -> memref<10000x128xf32, #tpu.memory_space<hbm>>
    tpu.enqueue_indirect_dma source(%dma_start3A_54 : memref<10000x128xf32, #tpu.memory_space<hbm>>) target(%arg9 : memref<128x128xf32, #tpu.memory_space<vmem>>) offsets(%dma_start3A_51 : memref<128xi32, #tpu.memory_space<vmem>>) semaphore(%arg12 : memref<!tpu.dma_semaphore, #tpu.memory_space<semaphore_mem>>)
    %scan3A_55 = arith.constant 0 : i32
    %scan3A_56 = arith.constant 0 : i32
    %scan3A_57 = arith.constant 39 : i32
    %scan3A_58 = arith.addi %scan3A_56, %scan3A_57 : i32
    %scan3A_59 = arith.constant 1 : i32
    scf.for %scan3A_120 = %scan3A_56 to %scan3A_58 step %scan3A_59  : i32 {
      %mul3A_121 = arith.constant 2 : i32
      %mul3A_122 = arith.muli %scan3A_120, %mul3A_121 : i32
      %add3A_123 = arith.constant 0 : i32
      %add3A_124 = arith.addi %mul3A_122, %add3A_123 : i32
      %rem3A_125 = arith.constant 32 : i32
      %rem3A_126 = arith.remsi %add3A_124, %rem3A_125 : i32
      %dma_wait3A_127 = arith.constant 0 : i32
      %dma_wait3A_128 = tpu.memref_slice %arg6[%rem3A_126, %dma_wait3A_127] : memref<32x128xi32, #tpu.memory_space<vmem>> -> memref<1x128xi32, #tpu.memory_space<vmem>>
      %dma_wait3A_129 = tpu.memref_squeeze %dma_wait3A_128 : memref<1x128xi32, #tpu.memory_space<vmem>> -> memref<128xi32, #tpu.memory_space<vmem>>
      %dma_wait3A_130 = arith.constant 0 : i32
      %dma_wait3A_131 = arith.constant 0 : i32
      %dma_wait3A_132 = tpu.memref_slice %arg2[%dma_wait3A_130, %dma_wait3A_131] : memref<10000x128xf32, #tpu.memory_space<hbm>> -> memref<10000x128xf32, #tpu.memory_space<hbm>>
      tpu.wait_indirect_dma semaphore(%arg11 : memref<!tpu.dma_semaphore, #tpu.memory_space<semaphore_mem>>) src(%dma_wait3A_132 : memref<10000x128xf32, #tpu.memory_space<hbm>>) dst(%arg8 : memref<128x128xf32, #tpu.memory_space<vmem>>)
      %mul3A_133 = arith.constant 2 : i32
      %mul3A_134 = arith.muli %scan3A_120, %mul3A_133 : i32
      %add3A_135 = arith.constant 0 : i32
      %add3A_136 = arith.addi %mul3A_134, %add3A_135 : i32
      %rem3A_137 = arith.constant 32 : i32
      %rem3A_138 = arith.remsi %add3A_136, %rem3A_137 : i32
      %dma_start3A_139 = arith.constant 0 : i32
      %dma_start3A_140 = tpu.memref_slice %arg7[%rem3A_138, %dma_start3A_139] : memref<32x128xi32, #tpu.memory_space<vmem>> -> memref<1x128xi32, #tpu.memory_space<vmem>>
      %dma_start3A_141 = tpu.memref_squeeze %dma_start3A_140 : memref<1x128xi32, #tpu.memory_space<vmem>> -> memref<128xi32, #tpu.memory_space<vmem>>
      %dma_start3A_142 = arith.constant 0 : i32
      %dma_start3A_143 = arith.constant 0 : i32
      %dma_start3A_144 = tpu.memref_slice %arg10[%dma_start3A_142, %dma_start3A_143] : memref<10240x128xf32, #tpu.memory_space<vmem_shared>> -> memref<10240x128xf32, #tpu.memory_space<vmem_shared>>
      tpu.enqueue_indirect_dma source(%arg8 : memref<128x128xf32, #tpu.memory_space<vmem>>) target(%dma_start3A_144 : memref<10240x128xf32, #tpu.memory_space<vmem_shared>>) offsets(%dma_start3A_141 : memref<128xi32, #tpu.memory_space<vmem>>) semaphore(%arg13 : memref<!tpu.dma_semaphore, #tpu.memory_space<semaphore_mem>>) {add = true}
      %mul3A_145 = arith.constant 2 : i32
      %mul3A_146 = arith.muli %scan3A_120, %mul3A_145 : i32
      %add3A_147 = arith.constant 1 : i32
      %add3A_148 = arith.addi %mul3A_146, %add3A_147 : i32
      %rem3A_149 = arith.constant 32 : i32
      %rem3A_150 = arith.remsi %add3A_148, %rem3A_149 : i32
      %dma_wait3A_151 = arith.constant 0 : i32
      %dma_wait3A_152 = tpu.memref_slice %arg6[%rem3A_150, %dma_wait3A_151] : memref<32x128xi32, #tpu.memory_space<vmem>> -> memref<1x128xi32, #tpu.memory_space<vmem>>
      %dma_wait3A_153 = tpu.memref_squeeze %dma_wait3A_152 : memref<1x128xi32, #tpu.memory_space<vmem>> -> memref<128xi32, #tpu.memory_space<vmem>>
      %dma_wait3A_154 = arith.constant 0 : i32
      %dma_wait3A_155 = arith.constant 0 : i32
      %dma_wait3A_156 = tpu.memref_slice %arg2[%dma_wait3A_154, %dma_wait3A_155] : memref<10000x128xf32, #tpu.memory_space<hbm>> -> memref<10000x128xf32, #tpu.memory_space<hbm>>
      tpu.wait_indirect_dma semaphore(%arg12 : memref<!tpu.dma_semaphore, #tpu.memory_space<semaphore_mem>>) src(%dma_wait3A_156 : memref<10000x128xf32, #tpu.memory_space<hbm>>) dst(%arg9 : memref<128x128xf32, #tpu.memory_space<vmem>>)
      %mul3A_157 = arith.constant 2 : i32
      %mul3A_158 = arith.muli %scan3A_120, %mul3A_157 : i32
      %add3A_159 = arith.constant 1 : i32
      %add3A_160 = arith.addi %mul3A_158, %add3A_159 : i32
      %rem3A_161 = arith.constant 32 : i32
      %rem3A_162 = arith.remsi %add3A_160, %rem3A_161 : i32
      %dma_start3A_163 = arith.constant 0 : i32
      %dma_start3A_164 = tpu.memref_slice %arg7[%rem3A_162, %dma_start3A_163] : memref<32x128xi32, #tpu.memory_space<vmem>> -> memref<1x128xi32, #tpu.memory_space<vmem>>
      %dma_start3A_165 = tpu.memref_squeeze %dma_start3A_164 : memref<1x128xi32, #tpu.memory_space<vmem>> -> memref<128xi32, #tpu.memory_space<vmem>>
      %dma_start3A_166 = arith.constant 0 : i32
      %dma_start3A_167 = arith.constant 0 : i32
      %dma_start3A_168 = tpu.memref_slice %arg10[%dma_start3A_166, %dma_start3A_167] : memref<10240x128xf32, #tpu.memory_space<vmem_shared>> -> memref<10240x128xf32, #tpu.memory_space<vmem_shared>>
      tpu.enqueue_indirect_dma source(%arg9 : memref<128x128xf32, #tpu.memory_space<vmem>>) target(%dma_start3A_168 : memref<10240x128xf32, #tpu.memory_space<vmem_shared>>) offsets(%dma_start3A_165 : memref<128xi32, #tpu.memory_space<vmem>>) semaphore(%arg14 : memref<!tpu.dma_semaphore, #tpu.memory_space<semaphore_mem>>) {add = true}
      %add3A_169 = arith.constant 1 : i32
      %add3A_170 = arith.addi %scan3A_120, %add3A_169 : i32
      %mul3A_171 = arith.constant 2 : i32
      %mul3A_172 = arith.muli %add3A_170, %mul3A_171 : i32
      %jit3A = arith.constant 16 : i32
      %div3A = arith.divsi %mul3A_172, %jit3A : i32
      %sign3A = arith.constant 0 : i32
      %sign3A_173 = arith.cmpi sgt, %mul3A_172, %sign3A : i32
      %sign3A_174 = arith.extui %sign3A_173 : i1 to i32
      %sign3A_175 = arith.constant 0 : i32
      %sign3A_176 = arith.cmpi slt, %mul3A_172, %sign3A_175 : i32
      %sign3A_177 = arith.extui %sign3A_176 : i1 to i32
      %sign3A_178 = arith.subi %sign3A_174, %sign3A_177 : i32
      %sign3A_179 = arith.constant 0 : i32
      %sign3A_180 = arith.cmpi sgt, %jit3A, %sign3A_179 : i32
      %sign3A_181 = arith.extui %sign3A_180 : i1 to i32
      %sign3A_182 = arith.constant 0 : i32
      %sign3A_183 = arith.cmpi slt, %jit3A, %sign3A_182 : i32
      %sign3A_184 = arith.extui %sign3A_183 : i1 to i32
      %sign3A_185 = arith.subi %sign3A_181, %sign3A_184 : i32
      %ne3A = arith.cmpi ne, %sign3A_178, %sign3A_185 : i32
      %rem3A_186 = arith.remsi %mul3A_172, %jit3A : i32
      %ne3A_187 = arith.constant 0 : i32
      %ne3A_188 = arith.cmpi ne, %rem3A_186, %ne3A_187 : i32
      %and3A = arith.andi %ne3A, %ne3A_188 : i1
      %sub3A = arith.constant 1 : i32
      %sub3A_189 = arith.subi %div3A, %sub3A : i32
      %select_n3A = arith.select %and3A, %sub3A_189, %div3A : i32
      %rem3A_190 = arith.constant 8 : i32
      %rem3A_191 = arith.remsi %scan3A_120, %rem3A_190 : i32
      %eq3A = arith.constant 7 : i32
      %eq3A_192 = arith.cmpi eq, %rem3A_191, %eq3A : i32
      %convert_element_type3A = arith.extui %eq3A_192 : i1 to i32
      %cond3A = arith.constant 0 : i32
      %cond3A_193 = arith.cmpi ne, %convert_element_type3A, %cond3A : i32
      scf.if %cond3A_193 {
        %rem3A_253 = arith.constant 2 : i32
        %rem3A_254 = arith.remsi %select_n3A, %rem3A_253 : i32
        %mul3A_255 = arith.constant 16 : i32
        %mul3A_256 = arith.muli %rem3A_254, %mul3A_255 : i32
        %mul3A_257 = arith.constant 16 : i32
        %mul3A_258 = arith.muli %select_n3A, %mul3A_257 : i32
        %add3A_259 = arith.addi %mul3A_2, %mul3A_258 : i32
        %dma_wait3A_260 = arith.constant 0 : i32
        %dma_wait3A_261 = tpu.memref_slice %arg6[%mul3A_256, %dma_wait3A_260] : memref<32x128xi32, #tpu.memory_space<vmem>> -> memref<16x128xi32, #tpu.memory_space<vmem>>
        %dma_wait3A_262 = arith.constant 0 : i32
        %dma_wait3A_263 = tpu.memref_slice %arg4[%add3A_259, %dma_wait3A_262] : memref<2560x128xi32, #tpu.memory_space<hbm>> -> memref<16x128xi32, #tpu.memory_space<hbm>>
        %dma_wait3A_264 = arith.constant 0 : i32
        %dma_wait3A_265 = tpu.memref_slice %arg6[%mul3A_256, %dma_wait3A_264] : memref<32x128xi32, #tpu.memory_space<vmem>> -> memref<16x128xi32, #tpu.memory_space<vmem>>
        %dma_wait3A_266 = arith.constant 0 : i32
        %dma_wait3A_267 = tpu.memref_slice %arg4[%add3A_259, %dma_wait3A_266] : memref<2560x128xi32, #tpu.memory_space<hbm>> -> memref<16x128xi32, #tpu.memory_space<hbm>>
        tpu.wait_dma2 semaphore(%arg15 : memref<!tpu.dma_semaphore, #tpu.memory_space<semaphore_mem>>) src(%dma_wait3A_267 : memref<16x128xi32, #tpu.memory_space<hbm>>) dst(%dma_wait3A_265 : memref<16x128xi32, #tpu.memory_space<vmem>>)
        %mul3A_268 = arith.constant 16 : i32
        %mul3A_269 = arith.muli %select_n3A, %mul3A_268 : i32
        %add3A_270 = arith.addi %mul3A_2, %mul3A_269 : i32
        %dma_wait3A_271 = arith.constant 0 : i32
        %dma_wait3A_272 = tpu.memref_slice %arg7[%mul3A_256, %dma_wait3A_271] : memref<32x128xi32, #tpu.memory_space<vmem>> -> memref<16x128xi32, #tpu.memory_space<vmem>>
        %dma_wait3A_273 = arith.constant 0 : i32
        %dma_wait3A_274 = tpu.memref_slice %arg3[%add3A_270, %dma_wait3A_273] : memref<2560x128xi32, #tpu.memory_space<hbm>> -> memref<16x128xi32, #tpu.memory_space<hbm>>
        %dma_wait3A_275 = arith.constant 0 : i32
        %dma_wait3A_276 = tpu.memref_slice %arg7[%mul3A_256, %dma_wait3A_275] : memref<32x128xi32, #tpu.memory_space<vmem>> -> memref<16x128xi32, #tpu.memory_space<vmem>>
        %dma_wait3A_277 = arith.constant 0 : i32
        %dma_wait3A_278 = tpu.memref_slice %arg3[%add3A_270, %dma_wait3A_277] : memref<2560x128xi32, #tpu.memory_space<hbm>> -> memref<16x128xi32, #tpu.memory_space<hbm>>
        tpu.wait_dma2 semaphore(%arg15 : memref<!tpu.dma_semaphore, #tpu.memory_space<semaphore_mem>>) src(%dma_wait3A_278 : memref<16x128xi32, #tpu.memory_space<hbm>>) dst(%dma_wait3A_276 : memref<16x128xi32, #tpu.memory_space<vmem>>)
      } else {
      }
      %mul3A_194 = arith.constant 2 : i32
      %mul3A_195 = arith.muli %scan3A_120, %mul3A_194 : i32
      %add3A_196 = arith.constant 0 : i32
      %add3A_197 = arith.addi %mul3A_195, %add3A_196 : i32
      %rem3A_198 = arith.constant 32 : i32
      %rem3A_199 = arith.remsi %add3A_197, %rem3A_198 : i32
      %dma_wait3A_200 = arith.constant 0 : i32
      %dma_wait3A_201 = tpu.memref_slice %arg7[%rem3A_199, %dma_wait3A_200] : memref<32x128xi32, #tpu.memory_space<vmem>> -> memref<1x128xi32, #tpu.memory_space<vmem>>
      %dma_wait3A_202 = tpu.memref_squeeze %dma_wait3A_201 : memref<1x128xi32, #tpu.memory_space<vmem>> -> memref<128xi32, #tpu.memory_space<vmem>>
      %dma_wait3A_203 = arith.constant 0 : i32
      %dma_wait3A_204 = arith.constant 0 : i32
      %dma_wait3A_205 = tpu.memref_slice %arg10[%dma_wait3A_203, %dma_wait3A_204] : memref<10240x128xf32, #tpu.memory_space<vmem_shared>> -> memref<10240x128xf32, #tpu.memory_space<vmem_shared>>
      tpu.wait_indirect_dma semaphore(%arg13 : memref<!tpu.dma_semaphore, #tpu.memory_space<semaphore_mem>>) src(%arg8 : memref<128x128xf32, #tpu.memory_space<vmem>>) dst(%dma_wait3A_205 : memref<10240x128xf32, #tpu.memory_space<vmem_shared>>)
      %add3A_206 = arith.constant 1 : i32
      %add3A_207 = arith.addi %scan3A_120, %add3A_206 : i32
      %mul3A_208 = arith.constant 2 : i32
      %mul3A_209 = arith.muli %add3A_207, %mul3A_208 : i32
      %add3A_210 = arith.constant 0 : i32
      %add3A_211 = arith.addi %mul3A_209, %add3A_210 : i32
      %rem3A_212 = arith.constant 32 : i32
      %rem3A_213 = arith.remsi %add3A_211, %rem3A_212 : i32
      %dma_start3A_214 = arith.constant 0 : i32
      %dma_start3A_215 = tpu.memref_slice %arg6[%rem3A_213, %dma_start3A_214] : memref<32x128xi32, #tpu.memory_space<vmem>> -> memref<1x128xi32, #tpu.memory_space<vmem>>
      %dma_start3A_216 = tpu.memref_squeeze %dma_start3A_215 : memref<1x128xi32, #tpu.memory_space<vmem>> -> memref<128xi32, #tpu.memory_space<vmem>>
      %dma_start3A_217 = arith.constant 0 : i32
      %dma_start3A_218 = arith.constant 0 : i32
      %dma_start3A_219 = tpu.memref_slice %arg2[%dma_start3A_217, %dma_start3A_218] : memref<10000x128xf32, #tpu.memory_space<hbm>> -> memref<10000x128xf32, #tpu.memory_space<hbm>>
      tpu.enqueue_indirect_dma source(%dma_start3A_219 : memref<10000x128xf32, #tpu.memory_space<hbm>>) target(%arg8 : memref<128x128xf32, #tpu.memory_space<vmem>>) offsets(%dma_start3A_216 : memref<128xi32, #tpu.memory_space<vmem>>) semaphore(%arg11 : memref<!tpu.dma_semaphore, #tpu.memory_space<semaphore_mem>>)
      %mul3A_220 = arith.constant 2 : i32
      %mul3A_221 = arith.muli %scan3A_120, %mul3A_220 : i32
      %add3A_222 = arith.constant 1 : i32
      %add3A_223 = arith.addi %mul3A_221, %add3A_222 : i32
      %rem3A_224 = arith.constant 32 : i32
      %rem3A_225 = arith.remsi %add3A_223, %rem3A_224 : i32
      %dma_wait3A_226 = arith.constant 0 : i32
      %dma_wait3A_227 = tpu.memref_slice %arg7[%rem3A_225, %dma_wait3A_226] : memref<32x128xi32, #tpu.memory_space<vmem>> -> memref<1x128xi32, #tpu.memory_space<vmem>>
      %dma_wait3A_228 = tpu.memref_squeeze %dma_wait3A_227 : memref<1x128xi32, #tpu.memory_space<vmem>> -> memref<128xi32, #tpu.memory_space<vmem>>
      %dma_wait3A_229 = arith.constant 0 : i32
      %dma_wait3A_230 = arith.constant 0 : i32
      %dma_wait3A_231 = tpu.memref_slice %arg10[%dma_wait3A_229, %dma_wait3A_230] : memref<10240x128xf32, #tpu.memory_space<vmem_shared>> -> memref<10240x128xf32, #tpu.memory_space<vmem_shared>>
      tpu.wait_indirect_dma semaphore(%arg14 : memref<!tpu.dma_semaphore, #tpu.memory_space<semaphore_mem>>) src(%arg9 : memref<128x128xf32, #tpu.memory_space<vmem>>) dst(%dma_wait3A_231 : memref<10240x128xf32, #tpu.memory_space<vmem_shared>>)
      %add3A_232 = arith.constant 1 : i32
      %add3A_233 = arith.addi %scan3A_120, %add3A_232 : i32
      %mul3A_234 = arith.constant 2 : i32
      %mul3A_235 = arith.muli %add3A_233, %mul3A_234 : i32
      %add3A_236 = arith.constant 1 : i32
      %add3A_237 = arith.addi %mul3A_235, %add3A_236 : i32
      %rem3A_238 = arith.constant 32 : i32
      %rem3A_239 = arith.remsi %add3A_237, %rem3A_238 : i32
      %dma_start3A_240 = arith.constant 0 : i32
      %dma_start3A_241 = tpu.memref_slice %arg6[%rem3A_239, %dma_start3A_240] : memref<32x128xi32, #tpu.memory_space<vmem>> -> memref<1x128xi32, #tpu.memory_space<vmem>>
      %dma_start3A_242 = tpu.memref_squeeze %dma_start3A_241 : memref<1x128xi32, #tpu.memory_space<vmem>> -> memref<128xi32, #tpu.memory_space<vmem>>
      %dma_start3A_243 = arith.constant 0 : i32
      %dma_start3A_244 = arith.constant 0 : i32
      %dma_start3A_245 = tpu.memref_slice %arg2[%dma_start3A_243, %dma_start3A_244] : memref<10000x128xf32, #tpu.memory_space<hbm>> -> memref<10000x128xf32, #tpu.memory_space<hbm>>
      tpu.enqueue_indirect_dma source(%dma_start3A_245 : memref<10000x128xf32, #tpu.memory_space<hbm>>) target(%arg9 : memref<128x128xf32, #tpu.memory_space<vmem>>) offsets(%dma_start3A_242 : memref<128xi32, #tpu.memory_space<vmem>>) semaphore(%arg12 : memref<!tpu.dma_semaphore, #tpu.memory_space<semaphore_mem>>)
      %add3A_246 = arith.constant 1 : i32
      %add3A_247 = arith.addi %select_n3A, %add3A_246 : i32
      %le3A = arith.constant 4 : i32
      %le3A_248 = arith.cmpi sle, %add3A_247, %le3A : i32
      %and3A_249 = arith.andi %eq3A_192, %le3A_248 : i1
      %convert_element_type3A_250 = arith.extui %and3A_249 : i1 to i32
      %cond3A_251 = arith.constant 0 : i32
      %cond3A_252 = arith.cmpi ne, %convert_element_type3A_250, %cond3A_251 : i32
      scf.if %cond3A_252 {
        %add3A_253 = arith.constant 1 : i32
        %add3A_254 = arith.addi %select_n3A, %add3A_253 : i32
        %rem3A_255 = arith.constant 2 : i32
        %rem3A_256 = arith.remsi %add3A_254, %rem3A_255 : i32
        %mul3A_257 = arith.constant 16 : i32
        %mul3A_258 = arith.muli %rem3A_256, %mul3A_257 : i32
        %mul3A_259 = arith.constant 16 : i32
        %mul3A_260 = arith.muli %add3A_254, %mul3A_259 : i32
        %add3A_261 = arith.addi %mul3A_2, %mul3A_260 : i32
        %dma_start3A_262 = arith.constant 0 : i32
        %dma_start3A_263 = tpu.memref_slice %arg6[%mul3A_258, %dma_start3A_262] : memref<32x128xi32, #tpu.memory_space<vmem>> -> memref<16x128xi32, #tpu.memory_space<vmem>>
        %dma_start3A_264 = arith.constant 0 : i32
        %dma_start3A_265 = tpu.memref_slice %arg4[%add3A_261, %dma_start3A_264] : memref<2560x128xi32, #tpu.memory_space<hbm>> -> memref<16x128xi32, #tpu.memory_space<hbm>>
        %dma_start3A_266 = arith.constant 0 : i32
        %dma_start3A_267 = tpu.memref_slice %arg6[%mul3A_258, %dma_start3A_266] : memref<32x128xi32, #tpu.memory_space<vmem>> -> memref<16x128xi32, #tpu.memory_space<vmem>>
        %dma_start3A_268 = arith.constant 0 : i32
        %dma_start3A_269 = tpu.memref_slice %arg4[%add3A_261, %dma_start3A_268] : memref<2560x128xi32, #tpu.memory_space<hbm>> -> memref<16x128xi32, #tpu.memory_space<hbm>>
        tpu.enqueue_dma source(%dma_start3A_269 : memref<16x128xi32, #tpu.memory_space<hbm>>) target(%dma_start3A_267 : memref<16x128xi32, #tpu.memory_space<vmem>>) target_semaphore(%arg15 : memref<!tpu.dma_semaphore, #tpu.memory_space<semaphore_mem>>)
        %mul3A_270 = arith.constant 16 : i32
        %mul3A_271 = arith.muli %add3A_254, %mul3A_270 : i32
        %add3A_272 = arith.addi %mul3A_2, %mul3A_271 : i32
        %dma_start3A_273 = arith.constant 0 : i32
        %dma_start3A_274 = tpu.memref_slice %arg7[%mul3A_258, %dma_start3A_273] : memref<32x128xi32, #tpu.memory_space<vmem>> -> memref<16x128xi32, #tpu.memory_space<vmem>>
        %dma_start3A_275 = arith.constant 0 : i32
        %dma_start3A_276 = tpu.memref_slice %arg3[%add3A_272, %dma_start3A_275] : memref<2560x128xi32, #tpu.memory_space<hbm>> -> memref<16x128xi32, #tpu.memory_space<hbm>>
        %dma_start3A_277 = arith.constant 0 : i32
        %dma_start3A_278 = tpu.memref_slice %arg7[%mul3A_258, %dma_start3A_277] : memref<32x128xi32, #tpu.memory_space<vmem>> -> memref<16x128xi32, #tpu.memory_space<vmem>>
        %dma_start3A_279 = arith.constant 0 : i32
        %dma_start3A_280 = tpu.memref_slice %arg3[%add3A_272, %dma_start3A_279] : memref<2560x128xi32, #tpu.memory_space<hbm>> -> memref<16x128xi32, #tpu.memory_space<hbm>>
        tpu.enqueue_dma source(%dma_start3A_280 : memref<16x128xi32, #tpu.memory_space<hbm>>) target(%dma_start3A_278 : memref<16x128xi32, #tpu.memory_space<vmem>>) target_semaphore(%arg15 : memref<!tpu.dma_semaphore, #tpu.memory_space<semaphore_mem>>)
      } else {
      }
    }
    %scan3A_60 = arith.constant 39 : i32
    %rem3A_61 = arith.constant 78 : i32
    %rem3A_62 = arith.constant 32 : i32
    %rem3A_63 = arith.remsi %rem3A_61, %rem3A_62 : i32
    %dma_wait3A = arith.constant 0 : i32
    %dma_wait3A_64 = tpu.memref_slice %arg6[%rem3A_63, %dma_wait3A] : memref<32x128xi32, #tpu.memory_space<vmem>> -> memref<1x128xi32, #tpu.memory_space<vmem>>
    %dma_wait3A_65 = tpu.memref_squeeze %dma_wait3A_64 : memref<1x128xi32, #tpu.memory_space<vmem>> -> memref<128xi32, #tpu.memory_space<vmem>>
    %dma_wait3A_66 = arith.constant 0 : i32
    %dma_wait3A_67 = arith.constant 0 : i32
    %dma_wait3A_68 = tpu.memref_slice %arg2[%dma_wait3A_66, %dma_wait3A_67] : memref<10000x128xf32, #tpu.memory_space<hbm>> -> memref<10000x128xf32, #tpu.memory_space<hbm>>
    tpu.wait_indirect_dma semaphore(%arg11 : memref<!tpu.dma_semaphore, #tpu.memory_space<semaphore_mem>>) src(%dma_wait3A_68 : memref<10000x128xf32, #tpu.memory_space<hbm>>) dst(%arg8 : memref<128x128xf32, #tpu.memory_space<vmem>>)
    %rem3A_69 = arith.constant 78 : i32
    %rem3A_70 = arith.constant 32 : i32
    %rem3A_71 = arith.remsi %rem3A_69, %rem3A_70 : i32
    %dma_start3A_72 = arith.constant 0 : i32
    %dma_start3A_73 = tpu.memref_slice %arg7[%rem3A_71, %dma_start3A_72] : memref<32x128xi32, #tpu.memory_space<vmem>> -> memref<1x128xi32, #tpu.memory_space<vmem>>
    %dma_start3A_74 = tpu.memref_squeeze %dma_start3A_73 : memref<1x128xi32, #tpu.memory_space<vmem>> -> memref<128xi32, #tpu.memory_space<vmem>>
    %dma_start3A_75 = arith.constant 0 : i32
    %dma_start3A_76 = arith.constant 0 : i32
    %dma_start3A_77 = tpu.memref_slice %arg10[%dma_start3A_75, %dma_start3A_76] : memref<10240x128xf32, #tpu.memory_space<vmem_shared>> -> memref<10240x128xf32, #tpu.memory_space<vmem_shared>>
    tpu.enqueue_indirect_dma source(%arg8 : memref<128x128xf32, #tpu.memory_space<vmem>>) target(%dma_start3A_77 : memref<10240x128xf32, #tpu.memory_space<vmem_shared>>) offsets(%dma_start3A_74 : memref<128xi32, #tpu.memory_space<vmem>>) semaphore(%arg13 : memref<!tpu.dma_semaphore, #tpu.memory_space<semaphore_mem>>) {add = true}
    %rem3A_78 = arith.constant 79 : i32
    %rem3A_79 = arith.constant 32 : i32
    %rem3A_80 = arith.remsi %rem3A_78, %rem3A_79 : i32
    %dma_wait3A_81 = arith.constant 0 : i32
    %dma_wait3A_82 = tpu.memref_slice %arg6[%rem3A_80, %dma_wait3A_81] : memref<32x128xi32, #tpu.memory_space<vmem>> -> memref<1x128xi32, #tpu.memory_space<vmem>>
    %dma_wait3A_83 = tpu.memref_squeeze %dma_wait3A_82 : memref<1x128xi32, #tpu.memory_space<vmem>> -> memref<128xi32, #tpu.memory_space<vmem>>
    %dma_wait3A_84 = arith.constant 0 : i32
    %dma_wait3A_85 = arith.constant 0 : i32
    %dma_wait3A_86 = tpu.memref_slice %arg2[%dma_wait3A_84, %dma_wait3A_85] : memref<10000x128xf32, #tpu.memory_space<hbm>> -> memref<10000x128xf32, #tpu.memory_space<hbm>>
    tpu.wait_indirect_dma semaphore(%arg12 : memref<!tpu.dma_semaphore, #tpu.memory_space<semaphore_mem>>) src(%dma_wait3A_86 : memref<10000x128xf32, #tpu.memory_space<hbm>>) dst(%arg9 : memref<128x128xf32, #tpu.memory_space<vmem>>)
    %rem3A_87 = arith.constant 79 : i32
    %rem3A_88 = arith.constant 32 : i32
    %rem3A_89 = arith.remsi %rem3A_87, %rem3A_88 : i32
    %dma_start3A_90 = arith.constant 0 : i32
    %dma_start3A_91 = tpu.memref_slice %arg7[%rem3A_89, %dma_start3A_90] : memref<32x128xi32, #tpu.memory_space<vmem>> -> memref<1x128xi32, #tpu.memory_space<vmem>>
    %dma_start3A_92 = tpu.memref_squeeze %dma_start3A_91 : memref<1x128xi32, #tpu.memory_space<vmem>> -> memref<128xi32, #tpu.memory_space<vmem>>
    %dma_start3A_93 = arith.constant 0 : i32
    %dma_start3A_94 = arith.constant 0 : i32
    %dma_start3A_95 = tpu.memref_slice %arg10[%dma_start3A_93, %dma_start3A_94] : memref<10240x128xf32, #tpu.memory_space<vmem_shared>> -> memref<10240x128xf32, #tpu.memory_space<vmem_shared>>
    tpu.enqueue_indirect_dma source(%arg9 : memref<128x128xf32, #tpu.memory_space<vmem>>) target(%dma_start3A_95 : memref<10240x128xf32, #tpu.memory_space<vmem_shared>>) offsets(%dma_start3A_92 : memref<128xi32, #tpu.memory_space<vmem>>) semaphore(%arg14 : memref<!tpu.dma_semaphore, #tpu.memory_space<semaphore_mem>>) {add = true}
    %rem3A_96 = arith.constant 78 : i32
    %rem3A_97 = arith.constant 32 : i32
    %rem3A_98 = arith.remsi %rem3A_96, %rem3A_97 : i32
    %dma_wait3A_99 = arith.constant 0 : i32
    %dma_wait3A_100 = tpu.memref_slice %arg7[%rem3A_98, %dma_wait3A_99] : memref<32x128xi32, #tpu.memory_space<vmem>> -> memref<1x128xi32, #tpu.memory_space<vmem>>
    %dma_wait3A_101 = tpu.memref_squeeze %dma_wait3A_100 : memref<1x128xi32, #tpu.memory_space<vmem>> -> memref<128xi32, #tpu.memory_space<vmem>>
    %dma_wait3A_102 = arith.constant 0 : i32
    %dma_wait3A_103 = arith.constant 0 : i32
    %dma_wait3A_104 = tpu.memref_slice %arg10[%dma_wait3A_102, %dma_wait3A_103] : memref<10240x128xf32, #tpu.memory_space<vmem_shared>> -> memref<10240x128xf32, #tpu.memory_space<vmem_shared>>
    tpu.wait_indirect_dma semaphore(%arg13 : memref<!tpu.dma_semaphore, #tpu.memory_space<semaphore_mem>>) src(%arg8 : memref<128x128xf32, #tpu.memory_space<vmem>>) dst(%dma_wait3A_104 : memref<10240x128xf32, #tpu.memory_space<vmem_shared>>)
    %rem3A_105 = arith.constant 79 : i32
    %rem3A_106 = arith.constant 32 : i32
    %rem3A_107 = arith.remsi %rem3A_105, %rem3A_106 : i32
    %dma_wait3A_108 = arith.constant 0 : i32
    %dma_wait3A_109 = tpu.memref_slice %arg7[%rem3A_107, %dma_wait3A_108] : memref<32x128xi32, #tpu.memory_space<vmem>> -> memref<1x128xi32, #tpu.memory_space<vmem>>
    %dma_wait3A_110 = tpu.memref_squeeze %dma_wait3A_109 : memref<1x128xi32, #tpu.memory_space<vmem>> -> memref<128xi32, #tpu.memory_space<vmem>>
    %dma_wait3A_111 = arith.constant 0 : i32
    %dma_wait3A_112 = arith.constant 0 : i32
    %dma_wait3A_113 = tpu.memref_slice %arg10[%dma_wait3A_111, %dma_wait3A_112] : memref<10240x128xf32, #tpu.memory_space<vmem_shared>> -> memref<10240x128xf32, #tpu.memory_space<vmem_shared>>
    tpu.wait_indirect_dma semaphore(%arg14 : memref<!tpu.dma_semaphore, #tpu.memory_space<semaphore_mem>>) src(%arg9 : memref<128x128xf32, #tpu.memory_space<vmem>>) dst(%dma_wait3A_113 : memref<10240x128xf32, #tpu.memory_space<vmem_shared>>)
    %barrier3A_114 = arith.constant 0 : index
    tpu.barrier barrier_id(%barrier3A_114)
    %mul3A_115 = arith.constant 640 : i32
    %mul3A_116 = arith.muli %arg1, %mul3A_115 : i32
    %mul3A_117 = arith.constant 10240 : i32
    %mul3A_118 = arith.muli %arg0, %mul3A_117 : i32
    %add3A_119 = arith.addi %mul3A_118, %mul3A_116 : i32
    "tpu.region"() ({
      %run_scoped3A = tpu.sem_alloc : memref<!tpu.dma_semaphore, #tpu.memory_space<semaphore_mem>>
      %dma_start3A_120 = arith.constant 0 : i32
      %dma_start3A_121 = tpu.memref_slice %arg5[%add3A_119, %dma_start3A_120] : memref<20480x128xf32, #tpu.memory_space<hbm>> -> memref<640x128xf32, #tpu.memory_space<hbm>>
      %dma_start3A_122 = arith.constant 0 : i32
      %dma_start3A_123 = tpu.memref_slice %arg10[%mul3A_116, %dma_start3A_122] : memref<10240x128xf32, #tpu.memory_space<vmem_shared>> -> memref<640x128xf32, #tpu.memory_space<vmem_shared>>
      tpu.enqueue_dma source(%dma_start3A_123 : memref<640x128xf32, #tpu.memory_space<vmem_shared>>) target(%dma_start3A_121 : memref<640x128xf32, #tpu.memory_space<hbm>>) target_semaphore(%run_scoped3A : memref<!tpu.dma_semaphore, #tpu.memory_space<semaphore_mem>>)
      %dma_wait3A_124 = arith.constant 0 : i32
      %dma_wait3A_125 = tpu.memref_slice %arg5[%add3A_119, %dma_wait3A_124] : memref<20480x128xf32, #tpu.memory_space<hbm>> -> memref<640x128xf32, #tpu.memory_space<hbm>>
      %dma_wait3A_126 = arith.constant 0 : i32
      %dma_wait3A_127 = tpu.memref_slice %arg10[%mul3A_116, %dma_wait3A_126] : memref<10240x128xf32, #tpu.memory_space<vmem_shared>> -> memref<640x128xf32, #tpu.memory_space<vmem_shared>>
      tpu.wait_dma2 semaphore(%run_scoped3A : memref<!tpu.dma_semaphore, #tpu.memory_space<semaphore_mem>>) src(%dma_wait3A_127 : memref<640x128xf32, #tpu.memory_space<vmem_shared>>) dst(%dma_wait3A_125 : memref<640x128xf32, #tpu.memory_space<hbm>>)
      tpu.yield
    }) : () -> ()
    return
  }
}

module attributes {stable_mosaic.version = 14 : i64} {
  func.func @_mm_body(%arg0: memref<10000x128xf32, #tpu.memory_space<vmem>>, %arg1: memref<128x128xf32, #tpu.memory_space<vmem>>, %arg2: memref<10000x1xf32, #tpu.memory_space<vmem>>, %arg3: memref<10000x1xf32, #tpu.memory_space<vmem>>, %arg4: memref<10000x128xf32, #tpu.memory_space<vmem>>, %arg5: memref<10000x1xf32, #tpu.memory_space<vmem>>) attributes {dimension_semantics = [], scalar_prefetch = 0 : i64, scratch_operands = 0 : i64, tpu.core_type = #tpu.core_type<tc>} {
    %get3A = arith.constant 0 : index
    %get3A_0 = arith.constant 0 : index
    %get3A_1 = vector.load %arg2[%get3A, %get3A_0] : memref<10000x1xf32, #tpu.memory_space<vmem>>, vector<10000x1xf32>
    %get3A_2 = arith.constant 0 : index
    %get3A_3 = arith.constant 0 : index
    %get3A_4 = vector.load %arg3[%get3A_2, %get3A_3] : memref<10000x1xf32, #tpu.memory_space<vmem>>, vector<10000x1xf32>
    %add3A = arith.addf %get3A_1, %get3A_4 : vector<10000x1xf32>
    %add3A_5 = arith.constant 1.000000e+00 : f32
    %add3A_6 = vector.broadcast %add3A_5 : f32 to vector<10000x1xf32>
    %add3A_7 = arith.addf %add3A, %add3A_6 : vector<10000x1xf32>
    %rsqrt3A = math.rsqrt %add3A_7 : vector<10000x1xf32>
    %swap3A = arith.constant 0 : index
    %swap3A_8 = arith.constant 0 : index
    %swap3A_9 = vector.load %arg5[%swap3A, %swap3A_8] : memref<10000x1xf32, #tpu.memory_space<vmem>>, vector<10000x1xf32>
    tpu.vector_store %arg5[%swap3A, %swap3A_8], %rsqrt3A {strides = array<i32>} : memref<10000x1xf32, #tpu.memory_space<vmem>>, vector<10000x1xf32>,
    %get3A_10 = arith.constant 0 : index
    %get3A_11 = arith.constant 0 : index
    %get3A_12 = vector.load %arg0[%get3A_10, %get3A_11] : memref<10000x128xf32, #tpu.memory_space<vmem>>, vector<10000x128xf32>
    %get3A_13 = arith.constant 0 : index
    %get3A_14 = arith.constant 0 : index
    %get3A_15 = vector.load %arg1[%get3A_13, %get3A_14] : memref<128x128xf32, #tpu.memory_space<vmem>>, vector<128x128xf32>
    %dot_general3A = arith.constant dense<0.000000e+00> : vector<10000x128xf32>
    %dot_general3A_16 = tpu.matmul %get3A_12, %get3A_15, %dot_general3A {dimension_numbers = #tpu.dot_dimension_numbers<[1], [0], [0], [1], [0, 0, 1, 1], [], []>, transpose_lhs_hint = false} : vector<10000x128xf32>, vector<128x128xf32>, vector<10000x128xf32> -> vector<10000x128xf32>
    %mul3A = vector.broadcast %rsqrt3A : vector<10000x1xf32> to vector<10000x128xf32>
    %mul3A_17 = arith.mulf %dot_general3A_16, %mul3A : vector<10000x128xf32>
    %swap3A_18 = arith.constant 0 : index
    %swap3A_19 = arith.constant 0 : index
    %swap3A_20 = vector.load %arg4[%swap3A_18, %swap3A_19] : memref<10000x128xf32, #tpu.memory_space<vmem>>, vector<10000x128xf32>
    tpu.vector_store %arg4[%swap3A_18, %swap3A_19], %mul3A_17 {strides = array<i32>} : memref<10000x128xf32, #tpu.memory_space<vmem>>, vector<10000x128xf32>,
    return
  }
}

module attributes {stable_mosaic.version = 14 : i64} {
  func.func @_combine_body(%arg0: memref<20480x128xf32, #tpu.memory_space<vmem>>, %arg1: memref<10000x128xf32, #tpu.memory_space<vmem>>, %arg2: memref<10000x1xf32, #tpu.memory_space<vmem>>, %arg3: memref<1x128xf32, #tpu.memory_space<vmem>>, %arg4: memref<10000x128xf32, #tpu.memory_space<vmem>>) attributes {dimension_semantics = [], scalar_prefetch = 0 : i64, scratch_operands = 0 : i64, tpu.core_type = #tpu.core_type<tc>} {
    %get3A = arith.constant 0 : index
    %get3A_0 = arith.constant 0 : index
    %get3A_1 = vector.load %arg0[%get3A, %get3A_0] : memref<20480x128xf32, #tpu.memory_space<vmem>>, vector<10000x128xf32>
    %get3A_2 = arith.constant 10240 : index
    %get3A_3 = arith.constant 0 : index
    %get3A_4 = vector.load %arg0[%get3A_2, %get3A_3] : memref<20480x128xf32, #tpu.memory_space<vmem>>, vector<10000x128xf32>
    %add3A = arith.addf %get3A_1, %get3A_4 : vector<10000x128xf32>
    %get3A_5 = arith.constant 0 : index
    %get3A_6 = arith.constant 0 : index
    %get3A_7 = vector.load %arg2[%get3A_5, %get3A_6] : memref<10000x1xf32, #tpu.memory_space<vmem>>, vector<10000x1xf32>
    %get3A_8 = arith.constant 0 : index
    %get3A_9 = arith.constant 0 : index
    %get3A_10 = vector.load %arg1[%get3A_8, %get3A_9] : memref<10000x128xf32, #tpu.memory_space<vmem>>, vector<10000x128xf32>
    %add3A_11 = arith.addf %add3A, %get3A_10 : vector<10000x128xf32>
    %mul3A = vector.broadcast %get3A_7 : vector<10000x1xf32> to vector<10000x128xf32>
    %mul3A_12 = arith.mulf %mul3A, %add3A_11 : vector<10000x128xf32>
    %get3A_13 = arith.constant 0 : index
    %get3A_14 = arith.constant 0 : index
    %get3A_15 = vector.load %arg3[%get3A_13, %get3A_14] : memref<1x128xf32, #tpu.memory_space<vmem>>, vector<1x128xf32>
    %add3A_16 = vector.broadcast %get3A_15 : vector<1x128xf32> to vector<10000x128xf32>
    %add3A_17 = arith.addf %mul3A_12, %add3A_16 : vector<10000x128xf32>
    %swap3A = arith.constant 0 : index
    %swap3A_18 = arith.constant 0 : index
    %swap3A_19 = vector.load %arg4[%swap3A, %swap3A_18] : memref<10000x128xf32, #tpu.memory_space<vmem>>, vector<10000x128xf32>
    tpu.vector_store %arg4[%swap3A, %swap3A_18], %add3A_17 {strides = array<i32>} : memref<10000x128xf32, #tpu.memory_space<vmem>>, vector<10000x128xf32>,
    return
  }
}

</mosaic_0001>

<sc_bundles>
// kernel: kernel.6.cloned.1.call-start
scs
__scs_entry_jumppad:
0x0: {  	(pc) =	sbr.rel $0x88, $3  }
0x1: {  	(tag) =	ssettag $0x0;
	lr =	simm.s32 $0x1  }
0x2: {  	[smem:$0x3F9D] =	sst lr;
	_ =	strace $0xD0000000  }
0x3: {  	_ = 	snop  }
0x4: {  	_ = 	snop  }
0x5: {  	_ = 	snop  }
0x6: {  	_ = 	snop  }
0x7: {  	_ = 	snop  }
__scs_overlays_trampoline_lowered:
0x8: {  	[smem:$0x3FAC] =	sst s0  }
0x9: {  	[smem:$0x3FAD] =	sst s1  }
0xa: {  	[smem:$0x3FAE] =	sst s2  }
0xb: {  	[smem:$0x3FAF] =	sst s3  }
0xc: {  	[smem:$0x3FB0] =	sst s4  }
0xd: {  	[smem:$0x3FB1] =	sst s5  }
0xe: {  	[smem:$0x3FB2] =	sst s6  }
0xf: {  	[smem:$0x3FB3] =	sst s7  }
0x10: {  	[smem:$0x3FB4] =	sst s8  }
0x11: {  	[smem:$0x3FB5] =	sst s9;
	s0 =	simm.s32 @!p0 $0x0  }
0x12: {  	s1 =	sld [smem:$0x3F9B];
	s0 =	simm.s32 @p0 $0x1  }
0x13: {  	[smem:$0x3FB6] =	sst s0;
	s0 =	simm.s32 @!p1 $0x0  }
0x14: {  	s2 =	sld [smem:$0x3F9A];
	s0 =	simm.s32 @p1 $0x1  }
0x15: {  	[smem:$0x3FB7] =	sst s0;
	s0 =	simm.s32 @!p2 $0x0  }
0x16: {  	s3 =	sld [smem:$0x3FDB];
	s0 =	simm.s32 @p2 $0x1  }
0x17: {  	s4 =	simm.s32 $0x1BF5;
	[smem:$0x3FB9] =	sst s0  }
0x18: {  	s0 =	sld [smem:$0x3F9C];
	_ =	swait.ge [sflag:s4], $0x0  }
0x19: {  	s7 =	sld [smem:$0x3F9D]  }
0x1a: {  	s8 =	sadd.s32 $0xFFFFE003, lr  }
0x1b: {  	s9 =	sadd.s32 $0xFFFFFEF7, lr;
	s5 =	simm.s32 $0xFFFFFFFF;
	p2 =	slt.u32 s8, $0xFFFFF086  }
0x1c: {  	p1 =	slt.u32 s9, $0xF7A;
	s5 =	simm.s32 @!p2 $0x0  }
0x1d: {  	s5 =	simm.s32 @p1 $0x1;
	p0 =	seq.s32 s7, s2  }
0x1e: {  	s7 =	smul.u32 @!p0 $0xF7A, s2;
	p2 =	seq.s32 @!p0 s5, $0x0  }
0x1f: {  	s9 =	smul.u32 $0xF7A, s1;
	s8 =	simm.s32 @!p0 $0x1BF5;
	p2 =	por !p2, p0  }
0x20: {  	[sflag:s8] =	ssyncset.s32 @!p0 $0xFFFFF086;
	s6 =	sadd.s32 @!p0 s3, s7;
	s7 =	simm.s32 @!p0 $0x108  }
0x21: {  	s3 =	sadd.s32 s3, s9;
	s6 =	sadd.s32 @!p0 $0x88, s6;
	s7 =	simm.s32 @p2 $0x1082  }
0x22: {  	[simem:s7], [sflag:s8] =	dma.local @!p0 [hbm:s6], $0xF7A  }
0x23: {  	s9 =	sor.u32 $0xD0000000, s2;
	s6 =	simm.s32 $0x108;
	_ =	swait.ge @!p0 [sflag:s8], $0x0  }
0x24: {  	s3 =	sadd.s32 $0x88, s3;
	s6 =	simm.s32 @!p1 $0x1082;
	[sflag:s4] =	ssyncset.s32 $0xFFFFF086  }
0x25: {  	[simem:s6], [sflag:s4] =	dma.local [hbm:s3], $0xF7A  }
0x26: {  	[smem:$0x3F9D] =	sst s1;
	(tag) =	ssettag s2;
	_ =	strace s9  }
0x27: {  	s1 =	sld [smem:$0x3FAD]  }
0x28: {  	s2 =	sld [smem:$0x3FAE]  }
0x29: {  	s4 =	sld [smem:$0x3FB0]  }
0x2a: {  	p0 =	seq.s32 s5, $0x0;
	s5 =	sld [smem:$0x3FB1]  }
0x2b: {  	s6 =	sld [smem:$0x3FB2]  }
0x2c: {  	s7 =	sld [smem:$0x3FB3]  }
0x2d: {  	s3 =	simm.s32 $0x108;
	s8 =	sld [smem:$0x3FB4]  }
0x2e: {  	s3 =	simm.s32 @!p0 $0x1082;
	s9 =	sld [smem:$0x3FB5]  }
0x2f: {  	lr =	sadd.s32 s0, s3;
	s0 =	sld [smem:$0x3FAC]  }
0x30: {  	s3 =	sld [smem:$0x3FAF]  }
0x31: {  	[smem:$0x3FB8] =	sst s10  }
0x32: {  	s10 =	sld [smem:$0x3FB6];
	_ =	sdelay $0x3  }
0x33: {  	p0 =	seq.s32 s10, $0x1;
	s10 =	sld [smem:$0x3FB8];
	_ =	sdelay $0x3  }
0x34: {  	[smem:$0x3FB8] =	sst s10  }
0x35: {  	s10 =	sld [smem:$0x3FB7];
	_ =	sdelay $0x3  }
0x36: {  	p1 =	seq.s32 s10, $0x1;
	s10 =	sld [smem:$0x3FB8];
	_ =	sdelay $0x3  }
0x37: {  	[smem:$0x3FB8] =	sst s10  }
0x38: {  	s10 =	sld [smem:$0x3FB9]  }
0x39: {  	_ = 	snop;
	(pc) =	sbr.ind lr, $3  }
0x3a: {  	_ = 	snop  }
0x3b: {  	_ = 	snop  }
0x3c: {  	p2 =	seq.s32 s10, $0x1;
	s10 =	sld [smem:$0x3FB8]  }
0x3d: {  	_ =	shalt  }
0x3e: {  	_ =	shalt  }
0x3f: {  	_ =	shalt  }
0x40: {  	_ =	shalt  }
0x41: {  	_ =	shalt  }
0x42: {  	_ =	shalt  }
0x43: {  	_ =	shalt  }
0x44: {  	_ =	shalt  }
0x45: {  	_ =	shalt  }
0x46: {  	_ =	shalt  }
0x47: {  	_ =	shalt  }
0x48: {  	_ =	shalt  }
0x49: {  	_ =	shalt  }
0x4a: {  	_ =	shalt  }
0x4b: {  	_ =	shalt  }
0x4c: {  	_ =	shalt  }
0x4d: {  	_ =	shalt  }
0x4e: {  	_ =	shalt  }
0x4f: {  	_ =	shalt  }
0x50: {  	_ =	shalt  }
0x51: {  	_ =	shalt  }
0x52: {  	_ =	shalt  }
0x53: {  	_ =	shalt  }
0x54: {  	_ =	shalt  }
0x55: {  	_ =	shalt  }
0x56: {  	_ =	shalt  }
0x57: {  	_ =	shalt  }
0x58: {  	_ =	shalt  }
0x59: {  	_ =	shalt  }
0x5a: {  	_ =	shalt  }
0x5b: {  	_ =	shalt  }
0x5c: {  	_ =	shalt  }
0x5d: {  	_ =	shalt  }
0x5e: {  	_ =	shalt  }
0x5f: {  	_ =	shalt  }
0x60: {  	_ =	shalt  }
0x61: {  	_ =	shalt  }
0x62: {  	_ =	shalt  }
0x63: {  	_ =	shalt  }
0x64: {  	_ =	shalt  }
0x65: {  	_ =	shalt  }
0x66: {  	_ =	shalt  }
0x67: {  	_ =	shalt  }
0x68: {  	_ =	shalt  }
0x69: {  	_ =	shalt  }
0x6a: {  	_ =	shalt  }
0x6b: {  	_ =	shalt  }
0x6c: {  	_ =	shalt  }
0x6d: {  	_ =	shalt  }
0x6e: {  	_ =	shalt  }
0x6f: {  	_ =	shalt  }
0x70: {  	_ =	shalt  }
0x71: {  	_ =	shalt  }
0x72: {  	_ =	shalt  }
0x73: {  	_ =	shalt  }
0x74: {  	_ =	shalt  }
0x75: {  	_ =	shalt  }
0x76: {  	_ =	shalt  }
0x77: {  	_ =	shalt  }
0x78: {  	_ =	shalt  }
0x79: {  	_ =	shalt  }
0x7a: {  	_ =	shalt  }
0x7b: {  	_ =	shalt  }
0x7c: {  	_ =	shalt  }
0x7d: {  	_ =	shalt  }
0x7e: {  	_ =	shalt  }
0x7f: {  	_ =	shalt  }
0x80: {  	_ =	shalt  }
0x81: {  	_ =	shalt  }
0x82: {  	_ =	shalt  }
0x83: {  	_ =	shalt  }
0x84: {  	_ =	shalt  }
0x85: {  	_ =	shalt  }
0x86: {  	_ =	shalt  }
0x87: {  	_ =	shalt  }
.Lfunc_end0:
.L_simem_size_0:
called_computation_lowered:
.L_overlay_start_0:
0x88: {  	s2 =	sld [smem:$0x3FD9]  }
0x89: {  	s3 =	sld [smem:$0x3FFE];
	_ =	sdelay $0x1  }
0x8a: {  	s1 =	srdreg.scid  }
0x8b: {  	s0 =	sand.u32 $0x1, s1  }
0x8c: {  	s17 =	sshll.u32 s0, $0xA;
	s2 =	sadd.s32 s3, s2  }
0x8d: {  	s2 =	sadd.s32 s2, s17  }
0x8e: {  	[smem:$0x3FC4] =	sst s2  }
0x8f: {  	_ = 	snop  }
0x90: {  	s2 =	sld [smem:$0x3FD0];
	(tm) =	ssettm $0x1  }
0x91: {  	s18 =	sld [smem:$0x3FFB];
	_ =	sdelay $0x3  }
0x92: {  	_ =	strace s18  }
0x93: {  	s3 =	sld [smem:$0x3FFC];
	_ =	sdelay $0x3  }
0x94: {  	_ =	strace s3  }
0x95: {  	s3 =	sld [smem:$0x3FFD];
	_ =	sdelay $0x3  }
0x96: {  	_ =	strace s3  }
0x97: {  	_ =	strace $0x8FFFFFFF  }
0x98: {  	s19 =	sld [smem:$0x3FDB];
	_ =	sdelay $0x1  }
0x99: {  	s4 =	simm.s32 $_scs_section_size  }
0x9a: {  	s5 =	simm.s32 $_size__tile_overlayer_lowered;
	s6 =	simm.s32 $_tile_overlayer_lowered  }
0x9b: {  	s22 =	simm.s32 $0x1BFF;
	s21 =	sshll.u32 s6, $0x1;
	s3 =	sadd.s32 s4, s19  }
0x9c: {  	s7 =	simm.s32 $0x0;
	s20 =	sshll.u32 s5, $0x1;
	s5 =	sadd.s32 s21, s3  }
0x9d: {  	[timem:s7], [sflag:s22] =	dma.local [hbm:s5], s20  }
0x9e: {  	_ =	swait.ge [sflag:s22], s20  }
0x9f: {  	s4 =	ssub.s32 $0x0, s20;
	[sflag:s22] =	ssyncset.done $0x0  }
0xa0: {  	[sflag:s22] =	ssyncadd.s32 s4;
	_ =	sdelay $0x1  }
0xa1: {  	s23 =	simm.s32 $0x1B8B  }
0xa2: {  	_ =	swait.ge [sflag:s23], $0x1  }
0xa3: {  	[sflag:s23] =	ssyncset.done $0x0  }
0xa4: {  	s25 =	simm.s32 $0x1B8E;
	s24 =	sld [smem:$0x3FFE];
	[sflag:s23] =	ssyncadd.s32 $0xFFFFFFFF  }
0xa5: {  	s26 =	simm.s32 $execute0_lowered;
	[smem:$0x3FD2] =	sst s25  }
0xa6: {  	s5 =	sshll.u32 s26, $0x1;
	_ =	strace $0x80000046;
	[dreg:$0x1] =	wrdreg $0xFFFFFFFF  }
0xa7: {  	s28 =	simm.s32 $_size_execute0_lowered;
	s3 =	sadd.s32 s3, s5;
	[dreg:$0x0] =	wrdreg $0x0  }
0xa8: {  	s5 =	sshll.u32 s28, $0x1;
	[dreg:$0x2] =	wrdreg s3  }
0xa9: {  	[dreg:$0x3] =	wrdreg s5  }
0xaa: {  	[dreg:$0x4] =	wrdreg $0xC0  }
0xab: {  	_ =	task [dreg:s7], $0x5FFFF  }
0xac: {  	[dreg:$0x1] =	wrdreg $0xFFFFFFFF  }
0xad: {  	[dreg:$0x0] =	wrdreg $0x60  }
0xae: {  	[dreg:$0x2] =	wrdreg s24  }
0xaf: {  	[dreg:$0x3] =	wrdreg s2  }
0xb0: {  	[dreg:$0x4] =	wrdreg $0x2B000  }
0xb1: {  	[dreg:$0x5] =	wrdreg $0x9  }
0xb2: {  	_ =	task.clear_ibuf [dreg:s7], $0x6FFFF;
	_ =	strace $0x90000046  }
0xb3: {  	s29 =	simm.s32 $0x9;
	_ =	strace $0x80000048  }
0xb4: {  	_ =	swait.ge [sflag:s29], $0x1  }
0xb5: {  	[sflag:s29] =	ssyncadd.s32 $0xFFFFFFFF  }
0xb6: {  	_ =	strace $0x90000048  }
0xb7: {  	_ =	sfence  }
0xb8: {  	s30 =	sld [smem:$0x0];
	_ =	sdelay $0x2  }
0xb9: {  	s31 =	sshll.u32 s1, $0xD;
	s1 =	sshrl.u32 s1, $0x2  }
0xba: {  	s3 =	sand.u32 $0x4000, s31;
	s1 =	sadd.s32 s1, s30  }
0xbb: {  	s0 =	sor.u32 s3, s0;
	s1 =	sshll.u32 s1, $0x11  }
0xbc: {  	s0 =	sor.u32 s1, s0  }
0xbd: {  	s0 =	sadd.s32 $0x8F2B, s0  }
0xbe: {  	[sflag:s0] =	ssyncadd.remote.s32 $0x1  }
0xbf: {  	_ =	sfence.sel $0xFFFF  }
0xc0: {  	[dreg:$0x0] =	wrdreg $0xFFFFFFFF;
	(pc) =	sbr.abs _section_cstart, $3  }
0xc1: {  	[dreg:$0x1] =	wrdreg $0xFFFFFFFF  }
0xc2: {  	_ =	task.clear_ibuf [dreg:s7], $0x2FFFF;
	_ =	strace $0x9FFFFFFF  }
0xc3: {  	(tm) =	ssettm $0x7FFFFFFF  }
tec
execute0_lowered:
.L_overlay_start_1:
0x0: {  	(tag) =	ssettag $0x1  }
0x1: {  	s5 =	rddreg [dreg:$0x0]  }
0x2: {  	s6 =	rddreg [dreg:$0x1]  }
0x3: {  	s0 =	srdreg.scid;
	s2 =	rddreg [dreg:$0x2]  }
0x4: {  	s3 =	simm.s32 $0x0;
	s10 =	simm.s32 $0x80;
	s11 =	simm.s32 $0x2800  }
0x5: {  	s12 =	simm.s32 $0x1;
	s4 =	sand.u32 $0x1, s0;
	s0 =	stileid.u32  }
0x6: {  	s15 =	simm.s32 $0x0;
	[smem:$0x7FF] =	sst s3;
	s8 =	smul.u32 $0x280, s0  }
0x7: {  	s1 =	sshll.u32 s4, $0x4;
	s9 =	smul.u32 $0x2800, s4;
	s4 =	ssub.s32 $0x2, s4  }
0x8: {  	s13 =	sshll.u32 s0, $0x6;
	s1 =	sor.u32 s0, s1;
	s30 =	sshrl.u32 s4, $0x1  }
0x9: {  	s13 =	sor.u32 $0x1C02, s13;
	s7 =	smul.u32 $0x500, s1;
	s9 =	sadd.s32 s8, s9  }
0xa: {  	s1 =	rddreg [dreg:$0x3];
	_ =	strace $0x80000047;
	s31 =	sshrl.u32 s9, $0x3  }
0xb: {  	s9 =	simm.s32 $0x2;
	s5 =	sadd.s32 s7, s5;
	s7 =	ssub.s32 s4, s30  }
0xc: {  	s4 =	sadd.s32 s8, s2;
	s6 =	sadd.s32 s6, s31;
	s8 =	simm.s32 $0x2880  }
0xd: {  	v0 =	vimm.f32 $1.000000000e+00;
	v1 =	vimm.f32 $0.0e+00;
	s5 =	sadd.s32 $0x1E00, s5;
	s7 =	smax.u32 s7, $0x1;
	s14 =	sshrl.u32 s4, $0x3  }
.LBB2_1:
0xe: {  	[tilespmem:$0x2800] =	vst v0  }
0xf: {  	[tilespmem:$0x2810] =	vst v0  }
0x10: {  	[tilespmem:$0x2820] =	vst v0  }
0x11: {  	[tilespmem:$0x2830] =	vst v0  }
0x12: {  	[tilespmem:$0x2840] =	vst v0  }
0x13: {  	[tilespmem:$0x2850] =	vst v0  }
0x14: {  	[tilespmem:$0x2860] =	vst v0  }
0x15: {  	[tilespmem:$0x2870] =	vst v0  }
0x16: {  	[tilespmem:$0x2880] =	vst v1  }
0x17: {  	[tilespmem:$0x2890] =	vst v1  }
0x18: {  	[tilespmem:$0x28A0] =	vst v1  }
0x19: {  	[tilespmem:$0x28B0] =	vst v1  }
0x1a: {  	[tilespmem:$0x28C0] =	vst v1  }
0x1b: {  	[tilespmem:$0x28D0] =	vst v1  }
0x1c: {  	[tilespmem:$0x28E0] =	vst v1  }
0x1d: {  	[tilespmem:$0x28F0] =	vst v1  }
0x1e: {  	[tilespmem:$0x2900] =	vst v1  }
0x1f: {  	[tilespmem:$0x2910] =	vst v1  }
0x20: {  	[tilespmem:$0x2920] =	vst v1  }
0x21: {  	[tilespmem:$0x2930] =	vst v1  }
0x22: {  	[tilespmem:$0x2940] =	vst v1  }
0x23: {  	[tilespmem:$0x2950] =	vst v1  }
0x24: {  	[tilespmem:$0x2960] =	vst v1  }
0x25: {  	[tilespmem:$0x2970] =	vst v1  }
0x26: {  	[tilespmem:$0x2980] =	vst v1  }
0x27: {  	[tilespmem:$0x2990] =	vst v1  }
0x28: {  	[tilespmem:$0x29A0] =	vst v1  }
0x29: {  	[tilespmem:$0x29B0] =	vst v1  }
0x2a: {  	[tilespmem:$0x29C0] =	vst v1  }
0x2b: {  	[tilespmem:$0x29D0] =	vst v1  }
0x2c: {  	[tilespmem:$0x29E0] =	vst v1  }
0x2d: {  	[tilespmem:$0x29F0] =	vst v1  }
0x2e: {  	[tilespmem:$0x2A00] =	vst v1  }
0x2f: {  	[tilespmem:$0x2A10] =	vst v1  }
0x30: {  	[tilespmem:$0x2A20] =	vst v1  }
0x31: {  	[tilespmem:$0x2A30] =	vst v1  }
0x32: {  	[tilespmem:$0x2A40] =	vst v1  }
0x33: {  	[tilespmem:$0x2A50] =	vst v1  }
0x34: {  	[tilespmem:$0x2A60] =	vst v1  }
0x35: {  	[tilespmem:$0x2A70] =	vst v1  }
0x36: {  	[tilespmem:$0x2A80] =	vst v1  }
0x37: {  	[tilespmem:$0x2A90] =	vst v1  }
0x38: {  	[tilespmem:$0x2AA0] =	vst v1  }
0x39: {  	[tilespmem:$0x2AB0] =	vst v1  }
0x3a: {  	[tilespmem:$0x2AC0] =	vst v1  }
0x3b: {  	[tilespmem:$0x2AD0] =	vst v1  }
0x3c: {  	[tilespmem:$0x2AE0] =	vst v1  }
0x3d: {  	[tilespmem:$0x2AF0] =	vst v1  }
0x3e: {  	[spmem:s4] =	stream.linear.scatter [tilespmem:s8], [sflag:$0x2], $0x280, $0x38;
	[tilespmem:$0x2D80] =	vst v63  }
0x3f: {  	_ =	swait.ge [sflag:s9], $0x280  }
0x40: {  	[sflag:s9] =	ssyncset.done $0x0  }
0x41: {  	[sflag:s9] =	ssyncadd.s32 $0xFFFFFD80  }
0x42: {  	[tilespmem:s3], [sflag:$0x2] =	stream.linear.gather [hbm4b:s5+s3], $0x2800, $0x38;
	[tilespmem:$0x2D80] =	vst v63  }
0x43: {  	_ =	swait.ge [sflag:s9], $0x2800  }
0x44: {  	[sflag:s9] =	ssyncset.done $0x0  }
0x45: {  	p0 =	por $0x1, $0x1;
	[sflag:s9] =	ssyncadd.s32 $0xFFFFD800  }
0x46: {  	s18 =	simm.s32 @!p0 $0x1;
	[bflag:$0x0] =	sbarrier.arrive $0xFFFF  }
0x47: {  	[spmem:s2] =	stream.indirect.scatter.add.f32 [tilespmem:s11], [sflag:$0x1], $0x1, s3, s10, $0xb8;
	[tilespmem:$0x2D80] =	vst v63  }
0x48: {  	_ =	swait.ge @!p0 [sflag:s18], $0x80  }
0x49: {  	s16 =	simm.s32 $0x1;
	s17 =	simm.s32 $0x0;
	[sflag:s18] =	ssyncset.done @!p0 $0x0  }
.LBB2_2:
0x4a: {  	[sflag:s18] =	ssyncadd.s32 @!p0 $0xFFFFFF80  }
0x4b: {  	s17 =	sadd.s32 $0x80, s17;
	s18 =	smov.u32 s16;
	s16 =	sadd.s32 $0x1, s16  }
0x4c: {  	p1 =	sne.s32 s16, $0x50  }
0x4d: {  	[spmem:s2] =	stream.indirect.scatter.add.f32 [tilespmem:s11], [sflag:$0x1], $0x1, s17, s10, $0xb8;
	[tilespmem:$0x2D80] =	vst v63  }
.Ltmp0:
0x4e: {  	_ = 	snop;
	(pc) =	sbr.rel @p1 .LBB2_2-.Ltmp0, $4  }
0x4f: {  	p0 =	slt.u32 s18, $0x8  }
0x50: {  	s18 =	simm.s32 @!p0 $0x1  }
0x51: {  	_ =	swait.ge @!p0 [sflag:s18], $0x80  }
0x52: {  	[sflag:s18] =	ssyncset.done @!p0 $0x0  }
0x53: {  	[sflag:s18] =	ssyncadd.s32 @!p0 $0xFFFFFF80  }
0x54: {  	_ =	swait.ge [sflag:s12], $0x80  }
0x55: {  	[sflag:s12] =	ssyncset.done $0x0  }
0x56: {  	[sflag:s12] =	ssyncadd.s32 $0xFFFFFF80  }
0x57: {  	_ =	swait.ge [sflag:s12], $0x80  }
0x58: {  	[sflag:s12] =	ssyncset.done $0x0  }
0x59: {  	[sflag:s12] =	ssyncadd.s32 $0xFFFFFF80  }
0x5a: {  	_ =	swait.ge [sflag:s12], $0x80  }
0x5b: {  	[sflag:s12] =	ssyncset.done $0x0  }
0x5c: {  	[sflag:s12] =	ssyncadd.s32 $0xFFFFFF80  }
0x5d: {  	_ =	swait.ge [sflag:s12], $0x80  }
0x5e: {  	[sflag:s12] =	ssyncset.done $0x0  }
0x5f: {  	[sflag:s12] =	ssyncadd.s32 $0xFFFFFF80  }
0x60: {  	_ =	swait.ge [sflag:s12], $0x80  }
0x61: {  	[sflag:s12] =	ssyncset.done $0x0  }
0x62: {  	[sflag:s12] =	ssyncadd.s32 $0xFFFFFF80  }
0x63: {  	_ =	swait.ge [sflag:s12], $0x80  }
0x64: {  	[sflag:s12] =	ssyncset.done $0x0  }
0x65: {  	[sflag:s12] =	ssyncadd.s32 $0xFFFFFF80  }
0x66: {  	_ =	swait.ge [sflag:s12], $0x80  }
0x67: {  	[sflag:s12] =	ssyncset.done $0x0  }
0x68: {  	[sflag:s12] =	ssyncadd.s32 $0xFFFFFF80  }
0x69: {  	_ =	swait.ge [sflag:s12], $0x80  }
0x6a: {  	s15 =	sadd.s32 $0x1, s15;
	[sflag:s12] =	ssyncset.done $0x0  }
0x6b: {  	p0 =	sne.s32 s15, s7;
	[sflag:s12] =	ssyncadd.s32 $0xFFFFFF80  }
.Ltmp1:
0x6c: {  	[bflag:$0x0] =	sbarrier.arrive $0xFFFF;
	(pc) =	sbr.rel @p0 .LBB2_1-.Ltmp1, $4  }
0x6d: {  	[hbm:s6], [sflag:s13] =	dma.local [spmem:s14], $0x50  }
0x6e: {  	_ =	swait.ge [sflag:s9], $0x50  }
0x6f: {  	[sflag:s9] =	ssyncset.done $0x0  }
0x70: {  	[sflag:s9] =	ssyncadd.s32 $0xFFFFFFB0  }
0x71: {  	_ =	sfence.sel $0x180000  }
0x72: {  	[bflag:$0x0] =	sbarrier.arrive $0xFFFF  }
0x73: {  	p0 =	sne.s32 s0, $0x0;
	_ =	strace $0x90000047  }
0x74: {  	s0 =	sadd.s32 @!p0 $0x100000, s1;
	[bflag:$0x2] =	sbarrier.arrive $0xFFFF  }
0x75: {  	[sflag:s0] =	ssyncadd.tile.s32 @!p0 $0x1;
	_ =	shalt  }
.Lfunc_end2:
_tile_overlayer_lowered:
.L_overlay_start_2:
0x76: {  	(tag) =	ssettag $0x2  }
0x77: {  	s0 =	rddreg [dreg:$0x0];
	s2 =	stileid.u32  }
0x78: {  	s1 =	rddreg [dreg:$0x1];
	p0 =	sne.s32 s2, $0x0  }
0x79: {  	s3 =	rddreg [dreg:$0x2];
	[bflag:$0x3] =	sbarrier.arrive $0xFFFF;
	s2 =	simm.s32 @!p0 $0x1C02  }
0x7a: {  	[timem:s3], [sflag:s2] =	dma.local @!p0 [hbm:s0], s1  }
0x7b: {  	s0 =	simm.s32 @!p0 $0x2  }
0x7c: {  	_ =	swait.ge @!p0 [sflag:s0], s1  }
0x7d: {  	s1 =	ssub.s32 @!p0 $0x0, s1;
	[sflag:s0] =	ssyncset.done @!p0 $0x0  }
0x7e: {  	[sflag:s0] =	ssyncadd.s32 @!p0 s1  }
0x7f: {  	[bflag:$0x3] =	sbarrier.arrive $0xFFFF  }
0x80: {  	_ =	shalt  }

// kernel: kernel.9.cloned.1.call-start
scs
__scs_entry_jumppad:
0x0: {  	(pc) =	sbr.rel $0x88, $3  }
0x1: {  	(tag) =	ssettag $0x0;
	lr =	simm.s32 $0x1  }
0x2: {  	[smem:$0x3F9D] =	sst lr;
	_ =	strace $0xD0000000  }
0x3: {  	_ = 	snop  }
0x4: {  	_ = 	snop  }
0x5: {  	_ = 	snop  }
0x6: {  	_ = 	snop  }
0x7: {  	_ = 	snop  }
__scs_overlays_trampoline_lowered:
0x8: {  	[smem:$0x3FAC] =	sst s0  }
0x9: {  	[smem:$0x3FAD] =	sst s1  }
0xa: {  	[smem:$0x3FAE] =	sst s2  }
0xb: {  	[smem:$0x3FAF] =	sst s3  }
0xc: {  	[smem:$0x3FB0] =	sst s4  }
0xd: {  	[smem:$0x3FB1] =	sst s5  }
0xe: {  	[smem:$0x3FB2] =	sst s6  }
0xf: {  	[smem:$0x3FB3] =	sst s7  }
0x10: {  	[smem:$0x3FB4] =	sst s8  }
0x11: {  	[smem:$0x3FB5] =	sst s9;
	s0 =	simm.s32 @!p0 $0x0  }
0x12: {  	s1 =	sld [smem:$0x3F9B];
	s0 =	simm.s32 @p0 $0x1  }
0x13: {  	[smem:$0x3FB6] =	sst s0;
	s0 =	simm.s32 @!p1 $0x0  }
0x14: {  	s2 =	sld [smem:$0x3F9A];
	s0 =	simm.s32 @p1 $0x1  }
0x15: {  	[smem:$0x3FB7] =	sst s0;
	s0 =	simm.s32 @!p2 $0x0  }
0x16: {  	s3 =	sld [smem:$0x3FDB];
	s0 =	simm.s32 @p2 $0x1  }
0x17: {  	s4 =	simm.s32 $0x1BF5;
	[smem:$0x3FB9] =	sst s0  }
0x18: {  	s0 =	sld [smem:$0x3F9C];
	_ =	swait.ge [sflag:s4], $0x0  }
0x19: {  	s7 =	sld [smem:$0x3F9D]  }
0x1a: {  	s8 =	sadd.s32 $0xFFFFE003, lr  }
0x1b: {  	s9 =	sadd.s32 $0xFFFFFEF7, lr;
	s5 =	simm.s32 $0xFFFFFFFF;
	p2 =	slt.u32 s8, $0xFFFFF086  }
0x1c: {  	p1 =	slt.u32 s9, $0xF7A;
	s5 =	simm.s32 @!p2 $0x0  }
0x1d: {  	s5 =	simm.s32 @p1 $0x1;
	p0 =	seq.s32 s7, s2  }
0x1e: {  	s7 =	smul.u32 @!p0 $0xF7A, s2;
	p2 =	seq.s32 @!p0 s5, $0x0  }
0x1f: {  	s9 =	smul.u32 $0xF7A, s1;
	s8 =	simm.s32 @!p0 $0x1BF5;
	p2 =	por !p2, p0  }
0x20: {  	[sflag:s8] =	ssyncset.s32 @!p0 $0xFFFFF086;
	s6 =	sadd.s32 @!p0 s3, s7;
	s7 =	simm.s32 @!p0 $0x108  }
0x21: {  	s3 =	sadd.s32 s3, s9;
	s6 =	sadd.s32 @!p0 $0x88, s6;
	s7 =	simm.s32 @p2 $0x1082  }
0x22: {  	[simem:s7], [sflag:s8] =	dma.local @!p0 [hbm:s6], $0xF7A  }
0x23: {  	s9 =	sor.u32 $0xD0000000, s2;
	s6 =	simm.s32 $0x108;
	_ =	swait.ge @!p0 [sflag:s8], $0x0  }
0x24: {  	s3 =	sadd.s32 $0x88, s3;
	s6 =	simm.s32 @!p1 $0x1082;
	[sflag:s4] =	ssyncset.s32 $0xFFFFF086  }
0x25: {  	[simem:s6], [sflag:s4] =	dma.local [hbm:s3], $0xF7A  }
0x26: {  	[smem:$0x3F9D] =	sst s1;
	(tag) =	ssettag s2;
	_ =	strace s9  }
0x27: {  	s1 =	sld [smem:$0x3FAD]  }
0x28: {  	s2 =	sld [smem:$0x3FAE]  }
0x29: {  	s4 =	sld [smem:$0x3FB0]  }
0x2a: {  	p0 =	seq.s32 s5, $0x0;
	s5 =	sld [smem:$0x3FB1]  }
0x2b: {  	s6 =	sld [smem:$0x3FB2]  }
0x2c: {  	s7 =	sld [smem:$0x3FB3]  }
0x2d: {  	s3 =	simm.s32 $0x108;
	s8 =	sld [smem:$0x3FB4]  }
0x2e: {  	s3 =	simm.s32 @!p0 $0x1082;
	s9 =	sld [smem:$0x3FB5]  }
0x2f: {  	lr =	sadd.s32 s0, s3;
	s0 =	sld [smem:$0x3FAC]  }
0x30: {  	s3 =	sld [smem:$0x3FAF]  }
0x31: {  	[smem:$0x3FB8] =	sst s10  }
0x32: {  	s10 =	sld [smem:$0x3FB6];
	_ =	sdelay $0x3  }
0x33: {  	p0 =	seq.s32 s10, $0x1;
	s10 =	sld [smem:$0x3FB8];
	_ =	sdelay $0x3  }
0x34: {  	[smem:$0x3FB8] =	sst s10  }
0x35: {  	s10 =	sld [smem:$0x3FB7];
	_ =	sdelay $0x3  }
0x36: {  	p1 =	seq.s32 s10, $0x1;
	s10 =	sld [smem:$0x3FB8];
	_ =	sdelay $0x3  }
0x37: {  	[smem:$0x3FB8] =	sst s10  }
0x38: {  	s10 =	sld [smem:$0x3FB9]  }
0x39: {  	_ = 	snop;
	(pc) =	sbr.ind lr, $3  }
0x3a: {  	_ = 	snop  }
0x3b: {  	_ = 	snop  }
0x3c: {  	p2 =	seq.s32 s10, $0x1;
	s10 =	sld [smem:$0x3FB8]  }
0x3d: {  	_ =	shalt  }
0x3e: {  	_ =	shalt  }
0x3f: {  	_ =	shalt  }
0x40: {  	_ =	shalt  }
0x41: {  	_ =	shalt  }
0x42: {  	_ =	shalt  }
0x43: {  	_ =	shalt  }
0x44: {  	_ =	shalt  }
0x45: {  	_ =	shalt  }
0x46: {  	_ =	shalt  }
0x47: {  	_ =	shalt  }
0x48: {  	_ =	shalt  }
0x49: {  	_ =	shalt  }
0x4a: {  	_ =	shalt  }
0x4b: {  	_ =	shalt  }
0x4c: {  	_ =	shalt  }
0x4d: {  	_ =	shalt  }
0x4e: {  	_ =	shalt  }
0x4f: {  	_ =	shalt  }
0x50: {  	_ =	shalt  }
0x51: {  	_ =	shalt  }
0x52: {  	_ =	shalt  }
0x53: {  	_ =	shalt  }
0x54: {  	_ =	shalt  }
0x55: {  	_ =	shalt  }
0x56: {  	_ =	shalt  }
0x57: {  	_ =	shalt  }
0x58: {  	_ =	shalt  }
0x59: {  	_ =	shalt  }
0x5a: {  	_ =	shalt  }
0x5b: {  	_ =	shalt  }
0x5c: {  	_ =	shalt  }
0x5d: {  	_ =	shalt  }
0x5e: {  	_ =	shalt  }
0x5f: {  	_ =	shalt  }
0x60: {  	_ =	shalt  }
0x61: {  	_ =	shalt  }
0x62: {  	_ =	shalt  }
0x63: {  	_ =	shalt  }
0x64: {  	_ =	shalt  }
0x65: {  	_ =	shalt  }
0x66: {  	_ =	shalt  }
0x67: {  	_ =	shalt  }
0x68: {  	_ =	shalt  }
0x69: {  	_ =	shalt  }
0x6a: {  	_ =	shalt  }
0x6b: {  	_ =	shalt  }
0x6c: {  	_ =	shalt  }
0x6d: {  	_ =	shalt  }
0x6e: {  	_ =	shalt  }
0x6f: {  	_ =	shalt  }
0x70: {  	_ =	shalt  }
0x71: {  	_ =	shalt  }
0x72: {  	_ =	shalt  }
0x73: {  	_ =	shalt  }
0x74: {  	_ =	shalt  }
0x75: {  	_ =	shalt  }
0x76: {  	_ =	shalt  }
0x77: {  	_ =	shalt  }
0x78: {  	_ =	shalt  }
0x79: {  	_ =	shalt  }
0x7a: {  	_ =	shalt  }
0x7b: {  	_ =	shalt  }
0x7c: {  	_ =	shalt  }
0x7d: {  	_ =	shalt  }
0x7e: {  	_ =	shalt  }
0x7f: {  	_ =	shalt  }
0x80: {  	_ =	shalt  }
0x81: {  	_ =	shalt  }
0x82: {  	_ =	shalt  }
0x83: {  	_ =	shalt  }
0x84: {  	_ =	shalt  }
0x85: {  	_ =	shalt  }
0x86: {  	_ =	shalt  }
0x87: {  	_ =	shalt  }
.Lfunc_end0:
.L_simem_size_0:
called_computation.1_lowered:
.L_overlay_start_0:
0x88: {  	s2 =	sld [smem:$0x3FD9]  }
0x89: {  	s3 =	sld [smem:$0x3FFE];
	_ =	sdelay $0x1  }
0x8a: {  	s1 =	srdreg.scid  }
0x8b: {  	s0 =	sand.u32 $0x1, s1  }
0x8c: {  	s17 =	sshll.u32 s0, $0xA;
	s2 =	sadd.s32 s3, s2  }
0x8d: {  	s2 =	sadd.s32 s2, s17  }
0x8e: {  	[smem:$0x3FC4] =	sst s2  }
0x8f: {  	_ = 	snop  }
0x90: {  	s2 =	sld [smem:$0x3FD0];
	(tm) =	ssettm $0x1  }
0x91: {  	s18 =	sld [smem:$0x3FFB];
	_ =	sdelay $0x3  }
0x92: {  	_ =	strace s18  }
0x93: {  	s3 =	sld [smem:$0x3FFC];
	_ =	sdelay $0x3  }
0x94: {  	_ =	strace s3  }
0x95: {  	s3 =	sld [smem:$0x3FFD];
	_ =	sdelay $0x3  }
0x96: {  	_ =	strace s3  }
0x97: {  	_ =	strace $0x8FFFFFFF  }
0x98: {  	s19 =	sld [smem:$0x3FDB];
	_ =	sdelay $0x1  }
0x99: {  	s4 =	simm.s32 $_scs_section_size  }
0x9a: {  	s5 =	simm.s32 $_size__tile_overlayer_lowered;
	s6 =	simm.s32 $_tile_overlayer_lowered  }
0x9b: {  	s22 =	simm.s32 $0x1BFF;
	s21 =	sshll.u32 s6, $0x1;
	s3 =	sadd.s32 s4, s19  }
0x9c: {  	s7 =	simm.s32 $0x0;
	s20 =	sshll.u32 s5, $0x1;
	s5 =	sadd.s32 s21, s3  }
0x9d: {  	[timem:s7], [sflag:s22] =	dma.local [hbm:s5], s20  }
0x9e: {  	_ =	swait.ge [sflag:s22], s20  }
0x9f: {  	s4 =	ssub.s32 $0x0, s20;
	[sflag:s22] =	ssyncset.done $0x0  }
0xa0: {  	[sflag:s22] =	ssyncadd.s32 s4;
	_ =	sdelay $0x1  }
0xa1: {  	s23 =	simm.s32 $0x1B8B  }
0xa2: {  	_ =	swait.ge [sflag:s23], $0x1  }
0xa3: {  	[sflag:s23] =	ssyncset.done $0x0  }
0xa4: {  	s25 =	simm.s32 $0x1B8E;
	s24 =	sld [smem:$0x3FFE];
	[sflag:s23] =	ssyncadd.s32 $0xFFFFFFFF  }
0xa5: {  	s26 =	simm.s32 $execute0_lowered;
	[smem:$0x3FD2] =	sst s25  }
0xa6: {  	s5 =	sshll.u32 s26, $0x1;
	_ =	strace $0x80000049;
	[dreg:$0x1] =	wrdreg $0xFFFFFFFF  }
0xa7: {  	s28 =	simm.s32 $_size_execute0_lowered;
	s3 =	sadd.s32 s3, s5;
	[dreg:$0x0] =	wrdreg $0x0  }
0xa8: {  	s5 =	sshll.u32 s28, $0x1;
	[dreg:$0x2] =	wrdreg s3  }
0xa9: {  	[dreg:$0x3] =	wrdreg s5  }
0xaa: {  	[dreg:$0x4] =	wrdreg $0xC0  }
0xab: {  	_ =	task [dreg:s7], $0x5FFFF  }
0xac: {  	[dreg:$0x1] =	wrdreg $0xFFFFFFFF  }
0xad: {  	[dreg:$0x0] =	wrdreg $0x60  }
0xae: {  	[dreg:$0x2] =	wrdreg s2  }
0xaf: {  	[dreg:$0x3] =	wrdreg s24  }
0xb0: {  	[dreg:$0x4] =	wrdreg $0xA0000  }
0xb1: {  	[dreg:$0x5] =	wrdreg $0x9  }
0xb2: {  	_ =	task.clear_ibuf [dreg:s7], $0x6FFFF;
	_ =	strace $0x90000049  }
0xb3: {  	s29 =	simm.s32 $0x9;
	_ =	strace $0x8000004B  }
0xb4: {  	_ =	swait.ge [sflag:s29], $0x1  }
0xb5: {  	[sflag:s29] =	ssyncadd.s32 $0xFFFFFFFF  }
0xb6: {  	_ =	strace $0x9000004B  }
0xb7: {  	_ =	sfence  }
0xb8: {  	s30 =	sld [smem:$0x0];
	_ =	sdelay $0x2  }
0xb9: {  	s31 =	sshll.u32 s1, $0xD;
	s1 =	sshrl.u32 s1, $0x2  }
0xba: {  	s3 =	sand.u32 $0x4000, s31;
	s1 =	sadd.s32 s1, s30  }
0xbb: {  	s0 =	sor.u32 s3, s0;
	s1 =	sshll.u32 s1, $0x11  }
0xbc: {  	s0 =	sor.u32 s1, s0  }
0xbd: {  	s0 =	sadd.s32 $0x8F2B, s0  }
0xbe: {  	[sflag:s0] =	ssyncadd.remote.s32 $0x1  }
0xbf: {  	_ =	sfence.sel $0xFFFF  }
0xc0: {  	[dreg:$0x0] =	wrdreg $0xFFFFFFFF;
	(pc) =	sbr.abs _section_cstart, $3  }
0xc1: {  	[dreg:$0x1] =	wrdreg $0xFFFFFFFF  }
0xc2: {  	_ =	task.clear_ibuf [dreg:s7], $0x2FFFF;
	_ =	strace $0x9FFFFFFF  }
0xc3: {  	(tm) =	ssettm $0x7FFFFFFF  }
tec
execute0_lowered:
.L_overlay_start_1:
0x0: {  	(tag) =	ssettag $0x1  }
0x1: {  	s1 =	rddreg [dreg:$0x0]  }
0x2: {  	s0 =	rddreg [dreg:$0x1]  }
0x3: {  	s2 =	rddreg [dreg:$0x2];
	s3 =	srdreg.scid;
	s4 =	simm.s32 $0x0  }
0x4: {  	s13 =	stileid.u32;
	s18 =	simm.s32 $0x2000;
	s19 =	simm.s32 $0x6  }
0x5: {  	s28 =	simm.s32 $0x3;
	s29 =	simm.s32 $0x4;
	s6 =	smul.u32 $0x2800, s13  }
0x6: {  	s3 =	sand.u32 $0x1, s3;
	[smem:$0x7FF] =	sst s4;
	s10 =	smul.u32 $0x50000, s13  }
0x7: {  	s7 =	sadd.s32 $0x1E00, s0;
	s20 =	sshll.u32 s13, $0x1;
	s13 =	smul.u32 $0x5000, s13  }
0x8: {  	s8 =	sadd.s32 $0xBE00, s0;
	s5 =	smul.u32 $0x28000, s3;
	s9 =	ssub.s32 $0x2, s3  }
0x9: {  	_ =	strace $0x8000004A;
	s21 =	sshrl.u32 s9, $0x1;
	s22 =	sshrl.u32 s10, $0x2  }
0xa: {  	s5 =	sadd.s32 s6, s5;
	s6 =	sor.u32 s3, s20;
	s3 =	smul.u32 $0x2800, s3  }
0xb: {  	s12 =	ssub.s32 s9, s21;
	s0 =	sadd.s32 s5, s0;
	s11 =	smul.u32 $0x2800, s6  }
0xc: {  	s6 =	smul.u32 $0x500, s6;
	s5 =	sadd.s32 s22, s2;
	s10 =	sadd.s32 $0x15E00, s0  }
0xd: {  	s30 =	sadd.s32 s3, s13;
	s13 =	sadd.s32 $0x8000, s5;
	s14 =	sadd.s32 $0xC000, s5  }
0xe: {  	s15 =	sadd.s32 $0x10000, s5;
	s23 =	sshrl.u32 s11, $0x3;
	s24 =	sadd.s32 s8, s6  }
0xf: {  	s6 =	sadd.s32 s7, s6;
	s11 =	smax.u32 s12, $0x1;
	s12 =	sadd.s32 $0x4000, s5  }
0x10: {  	s0 =	sadd.s32 $0x900, s30;
	[dreg:$0x4] =	wrdreg s24;
	s9 =	sadd.s32 $0x100, s23  }
0x11: {  	[dreg:$0x5] =	wrdreg s6;
	s0 =	sshrl.u32 s0, $0x3;
	s23 =	simm.s32 $0x80  }
0x12: {  	s24 =	simm.s32 $0x6000;
	s25 =	sadd.s32 s8, s9;
	s26 =	sadd.s32 s7, s9  }
0x13: {  	s31 =	sadd.s32 s0, s7;
	s6 =	sadd.s32 s0, s8;
	[dreg:$0x6] =	wrdreg s25  }
0x14: {  	v0 =	vimm.f32 $0.0e+00;
	[dreg:$0x7] =	wrdreg s26;
	s25 =	simm.s32 $0x1;
	s26 =	simm.s32 $0x2  }
.LBB2_1:
0x15: {  	s0 =	simm.s32 $0x0;
	s3 =	simm.s32 $0x200  }
.LBB2_2:
0x16: {  	p0 =	sne.s32 s3, $0xFE00;
	[tilespmem:s0+$0x2070] =	vst v0  }
0x17: {  	[tilespmem:s0+$0x2000] =	vst v0  }
0x18: {  	[tilespmem:s0+$0x2010] =	vst v0  }
.Ltmp0:
0x19: {  	[tilespmem:s0+$0x2020] =	vst v0;
	(pc) =	sbr.rel @p0 .LBB2_2-.Ltmp0, $4  }
0x1a: {  	[tilespmem:s0+$0x2030] =	vst v0  }
0x1b: {  	[tilespmem:s0+$0x2040] =	vst v0  }
0x1c: {  	[tilespmem:s0+$0x2050] =	vst v0  }
0x1d: {  	[tilespmem:s0+$0x2060] =	vst v0;
	s0 =	sshra.s32 s3, $0x2;
	s3 =	sadd.s32 $0x200, s3  }
0x1e: {  	[tilespmem:s0+$0x2070] =	vst v0  }
0x1f: {  	[tilespmem:s0+$0x2000] =	vst v0  }
0x20: {  	[tilespmem:s0+$0x2010] =	vst v0  }
0x21: {  	[tilespmem:s0+$0x2020] =	vst v0  }
0x22: {  	[tilespmem:s0+$0x2030] =	vst v0  }
0x23: {  	[tilespmem:s0+$0x2040] =	vst v0  }
0x24: {  	[tilespmem:s0+$0x2050] =	vst v0  }
0x25: {  	[tilespmem:s0+$0x2060] =	vst v0  }
0x26: {  	[spmem:s5] =	stream.linear.scatter [tilespmem:s18], [sflag:$0x6], $0x4000, $0x38;
	[tilespmem:$0x1E000] =	vst v63  }
0x27: {  	_ =	swait.ge [sflag:s19], $0x4000  }
0x28: {  	[sflag:s19] =	ssyncset.done $0x0  }
0x29: {  	[sflag:s19] =	ssyncadd.s32 $0xFFFFC000  }
0x2a: {  	[spmem:s12] =	stream.linear.scatter [tilespmem:s18], [sflag:$0x6], $0x4000, $0x38;
	[tilespmem:$0x1E000] =	vst v63  }
0x2b: {  	_ =	swait.ge [sflag:s19], $0x4000  }
0x2c: {  	[sflag:s19] =	ssyncset.done $0x0  }
0x2d: {  	[sflag:s19] =	ssyncadd.s32 $0xFFFFC000  }
0x2e: {  	[spmem:s13] =	stream.linear.scatter [tilespmem:s18], [sflag:$0x6], $0x4000, $0x38;
	[tilespmem:$0x1E000] =	vst v63  }
0x2f: {  	_ =	swait.ge [sflag:s19], $0x4000  }
0x30: {  	[sflag:s19] =	ssyncset.done $0x0  }
0x31: {  	[sflag:s19] =	ssyncadd.s32 $0xFFFFC000  }
0x32: {  	[spmem:s14] =	stream.linear.scatter [tilespmem:s18], [sflag:$0x6], $0x4000, $0x38;
	[tilespmem:$0x1E000] =	vst v63  }
0x33: {  	_ =	swait.ge [sflag:s19], $0x4000  }
0x34: {  	[sflag:s19] =	ssyncset.done $0x0  }
0x35: {  	[sflag:s19] =	ssyncadd.s32 $0xFFFFC000  }
0x36: {  	[spmem:s15] =	stream.linear.scatter [tilespmem:s18], [sflag:$0x6], $0x4000, $0x38;
	[tilespmem:$0x1E000] =	vst v63  }
0x37: {  	_ =	swait.ge [sflag:s19], $0x4000  }
0x38: {  	[sflag:s19] =	ssyncset.done $0x0  }
0x39: {  	s9 =	simm.s32 $0x0;
	s3 =	rddreg [dreg:$0x4];
	[sflag:s19] =	ssyncadd.s32 $0xFFFFC000  }
0x3a: {  	[tilespmem:s9], [sflag:$0x6] =	stream.linear.gather [hbm4b:s3+s9], $0x800, $0x38;
	[tilespmem:$0x1E000] =	vst v63  }
0x3b: {  	_ =	swait.ge [sflag:s19], $0x800  }
0x3c: {  	[sflag:s19] =	ssyncset.done $0x0  }
0x3d: {  	s7 =	simm.s32 $0x1000;
	s16 =	rddreg [dreg:$0x5];
	[sflag:s19] =	ssyncadd.s32 $0xFFFFF800  }
0x3e: {  	[tilespmem:s7], [sflag:$0x6] =	stream.linear.gather [hbm4b:s16+s9], $0x800, $0x38;
	[tilespmem:$0x1E000] =	vst v63  }
0x3f: {  	_ =	swait.ge [sflag:s19], $0x800  }
0x40: {  	[sflag:s19] =	ssyncset.done $0x0  }
0x41: {  	s20 =	simm.s32 $0x800;
	s17 =	rddreg [dreg:$0x6];
	[sflag:s19] =	ssyncadd.s32 $0xFFFFF800  }
0x42: {  	[tilespmem:s20], [sflag:$0x5] =	stream.linear.gather [hbm4b:s17+s9], $0x800, $0x38;
	[tilespmem:$0x1E000] =	vst v63  }
0x43: {  	s22 =	simm.s32 $0x1800;
	s21 =	rddreg [dreg:$0x7]  }
0x44: {  	[tilespmem:s22], [sflag:$0x5] =	stream.linear.gather [hbm4b:s21+s9], $0x800, $0x38;
	[tilespmem:$0x1E000] =	vst v63  }
0x45: {  	[bflag:$0x0] =	sbarrier.arrive $0xFFFF  }
0x46: {  	[tilespmem:s18], [sflag:$0x1] =	stream.indirect.gather [hbm4b:s1+s23], $0x80, s9, s23, $0xb8;
	[tilespmem:$0x1E000] =	vst v63  }
0x47: {  	s7 =	simm.s32 $0x0  }
0x48: {  	[tilespmem:s24], [sflag:$0x2] =	stream.indirect.gather [hbm4b:s1+s23], $0x80, s23, s23, $0xb8;
	[tilespmem:$0x1E000] =	vst v63  }
0x49: {  	s3 =	sand.u32 $0x3C00, s7;
	_ =	swait.ge [sflag:s25], $0x4000  }
0x4a: {  	s3 =	sshrl.u32 s3, $0x2;
	[sflag:s25] =	ssyncset.done $0x0  }
0x4b: {  	s8 =	sor.u32 $0x1000, s3;
	[sflag:s25] =	ssyncadd.s32 $0xFFFFC000  }
0x4c: {  	[spmem:s2] =	stream.indirect.scatter.add.f32 [tilespmem:s18], [sflag:$0x3], $0x80, s8, s23, $0xb8;
	[tilespmem:$0x1E000] =	vst v63  }
0x4d: {  	s7 =	sand.u32 $0x7, s9;
	_ =	swait.ge [sflag:s26], $0x4000  }
0x4e: {  	p0 =	sne.s32 s7, $0x7;
	[sflag:s26] =	ssyncset.done $0x0  }
0x4f: {  	s9 =	sor.u32 $0x1080, s3;
	s8 =	simm.s32 @!p0 $0x5;
	[sflag:s26] =	ssyncadd.s32 $0xFFFFC000  }
0x50: {  	[spmem:s2] =	stream.indirect.scatter.add.f32 [tilespmem:s24], [sflag:$0x4], $0x80, s9, s23, $0xb8;
	[tilespmem:$0x1E000] =	vst v63  }
0x51: {  	_ =	swait.ge @!p0 [sflag:s8], $0x800  }
0x52: {  	[sflag:s8] =	ssyncset.done @!p0 $0x0  }
0x53: {  	[sflag:s8] =	ssyncadd.s32 @!p0 $0xFFFFF800  }
0x54: {  	_ =	swait.ge @!p0 [sflag:s8], $0x800  }
0x55: {  	s0 =	simm.s32 $0x1;
	[sflag:s8] =	ssyncset.done @!p0 $0x0  }
0x56: {  	s30 =	simm.s32 $0x800;
	s16 =	simm.s32 $0x100;
	[sflag:s8] =	ssyncadd.s32 @!p0 $0xFFFFF800  }
0x57: {  	s17 =	sand.u32 $0xF00, s16;
	s20 =	simm.s32 $0xA00;
	_ =	swait.ge [sflag:s28], $0x4000  }
0x58: {  	s16 =	smov.u32 s31;
	s21 =	sadd.s32 $0x20, s31;
	[sflag:s28] =	ssyncset.done $0x0  }
0x59: {  	s22 =	sadd.s32 $0x20, s6;
	p0 =	por $0x0, $0x0;
	[sflag:s28] =	ssyncadd.s32 $0xFFFFC000  }
0x5a: {  	[tilespmem:s18], [sflag:$0x1] =	stream.indirect.gather [hbm4b:s1+s23], $0x80, s17, s23, $0xb8;
	[tilespmem:$0x1E000] =	vst v63  }
0x5b: {  	s3 =	simm.s32 $0x900;
	p1 =	sne.s32 @!p0 s7, $0x7;
	_ =	swait.ge [sflag:s29], $0x4000  }
0x5c: {  	s8 =	sor.u32 $0x80, s17;
	p1 =	por p1, p0;
	[sflag:s29] =	ssyncset.done $0x0  }
0x5d: {  	s7 =	simm.s32 @!p1 $0x0;
	s17 =	smov.u32 s6;
	[sflag:s29] =	ssyncadd.s32 $0xFFFFC000  }
.LBB2_4:
0x5e: {  	[tilespmem:s24], [sflag:$0x2] =	stream.indirect.gather [hbm4b:s1+s23], $0x80, s8, s23, $0xb8;
	[tilespmem:$0x1E000] =	vst v63  }
0x5f: {  	s8 =	smov.u32 s0  }
0x60: {  	s9 =	sadd.s32 $0xFFFFFC00, s30;
	s0 =	sadd.s32 $0x1, s0;
	s3 =	sand.u32 @!p1 $0x800, s3  }
0x61: {  	[tilespmem:s3], [sflag:$0x5] =	stream.linear.gather @!p1 [hbm4b:s17+s7], $0x800, $0x38;
	[tilespmem:$0x1E000] =	vst v63  }
0x62: {  	s9 =	sand.u32 $0x3C00, s9;
	p0 =	sne.s32 s0, $0x27;
	s3 =	sor.u32 @!p1 $0x1000, s3  }
0x63: {  	[tilespmem:s3], [sflag:$0x5] =	stream.linear.gather @!p1 [hbm4b:s16+s7], $0x800, $0x38;
	[tilespmem:$0x1E000] =	vst v63  }
0x64: {  	s7 =	sshrl.u32 s9, $0x2;
	s3 =	smov.u32 s20;
	_ =	swait.ge [sflag:s25], $0x4000  }
0x65: {  	s17 =	smov.u32 s22;
	s16 =	smov.u32 s21;
	[sflag:s25] =	ssyncset.done $0x0  }
0x66: {  	s9 =	sand.u32 $0x7, s8;
	p1 =	sgt.u32 s8, $0x1E;
	[sflag:s25] =	ssyncadd.s32 $0xFFFFC000  }
0x67: {  	s8 =	sor.u32 $0x1000, s7;
	p3 =	sne.s32 s9, $0x7;
	p2 =	sne.s32 @!p1 s9, $0x7  }
0x68: {  	[spmem:s2] =	stream.indirect.scatter.add.f32 [tilespmem:s18], [sflag:$0x3], $0x80, s8, s23, $0xb8;
	[tilespmem:$0x1E000] =	vst v63  }
0x69: {  	_ =	swait.ge [sflag:s26], $0x4000  }
0x6a: {  	[sflag:s26] =	ssyncset.done $0x0  }
0x6b: {  	s7 =	sor.u32 $0x1080, s7;
	s8 =	simm.s32 @!p3 $0x5;
	[sflag:s26] =	ssyncadd.s32 $0xFFFFC000  }
0x6c: {  	[spmem:s2] =	stream.indirect.scatter.add.f32 [tilespmem:s24], [sflag:$0x4], $0x80, s7, s23, $0xb8;
	[tilespmem:$0x1E000] =	vst v63  }
0x6d: {  	_ =	swait.ge @!p3 [sflag:s8], $0x800  }
0x6e: {  	[sflag:s8] =	ssyncset.done @!p3 $0x0  }
0x6f: {  	[sflag:s8] =	ssyncadd.s32 @!p3 $0xFFFFF800  }
0x70: {  	_ =	swait.ge @!p3 [sflag:s8], $0x800  }
0x71: {  	[sflag:s8] =	ssyncset.done @!p3 $0x0  }
0x72: {  	[sflag:s8] =	ssyncadd.s32 @!p3 $0xFFFFF800  }
0x73: {  	_ =	swait.ge [sflag:s28], $0x4000  }
0x74: {  	p1 =	por p2, p1;
	s7 =	sshrl.u32 s30, $0x2;
	[sflag:s28] =	ssyncset.done $0x0  }
.Ltmp1:
0x75: {  	s8 =	sand.u32 $0xF00, s7;
	[sflag:s28] =	ssyncadd.s32 $0xFFFFC000;
	(pc) =	sbr.rel @p0 .LBB2_4-.Ltmp1, $4  }
0x76: {  	[tilespmem:s18], [sflag:$0x1] =	stream.indirect.gather [hbm4b:s1+s23], $0x80, s8, s23, $0xb8;
	[tilespmem:$0x1E000] =	vst v63  }
0x77: {  	s20 =	sadd.s32 $0x100, s20;
	s7 =	simm.s32 @!p1 $0x0;
	_ =	swait.ge [sflag:s29], $0x4000  }
0x78: {  	s22 =	sadd.s32 $0x20, s22;
	s21 =	sadd.s32 $0x20, s21;
	[sflag:s29] =	ssyncset.done $0x0  }
0x79: {  	s30 =	sadd.s32 $0x400, s30;
	s8 =	sor.u32 $0x80, s8;
	[sflag:s29] =	ssyncadd.s32 $0xFFFFC000  }
0x7a: {  	[tilespmem:s24], [sflag:$0x2] =	stream.indirect.gather [hbm4b:s1+s23], $0x80, s8, s23, $0xb8;
	[tilespmem:$0x1E000] =	vst v63  }
0x7b: {  	s0 =	sand.u32 @!p1 $0x800, s3  }
0x7c: {  	[tilespmem:s0], [sflag:$0x5] =	stream.linear.gather @!p1 [hbm4b:s17+s7], $0x800, $0x38;
	[tilespmem:$0x1E000] =	vst v63  }
0x7d: {  	s0 =	sor.u32 @!p1 $0x1000, s0  }
0x7e: {  	[tilespmem:s0], [sflag:$0x5] =	stream.linear.gather @!p1 [hbm4b:s16+s7], $0x800, $0x38;
	[tilespmem:$0x1E000] =	vst v63  }
0x7f: {  	_ =	swait.ge [sflag:s25], $0x4000  }
0x80: {  	[sflag:s25] =	ssyncset.done $0x0  }
0x81: {  	s20 =	simm.s32 $0x1700;
	[sflag:s25] =	ssyncadd.s32 $0xFFFFC000  }
0x82: {  	[spmem:s2] =	stream.indirect.scatter.add.f32 [tilespmem:s18], [sflag:$0x3], $0x80, s20, s23, $0xb8;
	[tilespmem:$0x1E000] =	vst v63  }
0x83: {  	_ =	swait.ge [sflag:s26], $0x4000  }
0x84: {  	[sflag:s26] =	ssyncset.done $0x0  }
0x85: {  	s21 =	simm.s32 $0x1780;
	[sflag:s26] =	ssyncadd.s32 $0xFFFFC000  }
0x86: {  	[spmem:s2] =	stream.indirect.scatter.add.f32 [tilespmem:s24], [sflag:$0x4], $0x80, s21, s23, $0xb8;
	[tilespmem:$0x1E000] =	vst v63  }
0x87: {  	_ =	swait.ge [sflag:s28], $0x4000  }
0x88: {  	[sflag:s28] =	ssyncset.done $0x0  }
0x89: {  	[sflag:s28] =	ssyncadd.s32 $0xFFFFC000  }
0x8a: {  	s22 =	stileid.u32;
	_ =	swait.ge [sflag:s29], $0x4000  }
0x8b: {  	s30 =	sshrl.u32 s5, $0x3;
	s4 =	sadd.s32 $0x1, s4;
	[sflag:s29] =	ssyncset.done $0x0  }
0x8c: {  	p0 =	sne.s32 s4, s11;
	s0 =	sshll.u32 s22, $0x6;
	[sflag:s29] =	ssyncadd.s32 $0xFFFFC000  }
.Ltmp2:
0x8d: {  	s0 =	sor.u32 $0x1C06, s0;
	[bflag:$0x0] =	sbarrier.arrive $0xFFFF;
	(pc) =	sbr.rel @p0 .LBB2_1-.Ltmp2, $4  }
0x8e: {  	[hbm:s10], [sflag:s0] =	dma.local [spmem:s30], $0x2800  }
0x8f: {  	_ =	swait.ge [sflag:s19], $0x2800  }
0x90: {  	[sflag:s19] =	ssyncset.done $0x0  }
0x91: {  	[sflag:s19] =	ssyncadd.s32 $0xFFFFD800  }
0x92: {  	_ =	sfence.sel $0x180000  }
0x93: {  	[bflag:$0x0] =	sbarrier.arrive $0xFFFF  }
0x94: {  	_ =	strace $0x9000004A  }
0x95: {  	s0 =	stileid.u32;
	[bflag:$0x2] =	sbarrier.arrive $0xFFFF  }
0x96: {  	p0 =	sne.s32 s0, $0x0;
	s0 =	rddreg [dreg:$0x3]  }
0x97: {  	s0 =	sadd.s32 @!p0 $0x100000, s0  }
0x98: {  	[sflag:s0] =	ssyncadd.tile.s32 @!p0 $0x1;
	_ =	shalt  }
.Lfunc_end2:
_tile_overlayer_lowered:
.L_overlay_start_2:
0x99: {  	(tag) =	ssettag $0x2  }
0x9a: {  	s0 =	rddreg [dreg:$0x0];
	s2 =	stileid.u32  }
0x9b: {  	s1 =	rddreg [dreg:$0x1];
	p0 =	sne.s32 s2, $0x0  }
0x9c: {  	s3 =	rddreg [dreg:$0x2];
	[bflag:$0x3] =	sbarrier.arrive $0xFFFF;
	s2 =	simm.s32 @!p0 $0x1C06  }
0x9d: {  	[timem:s3], [sflag:s2] =	dma.local @!p0 [hbm:s0], s1  }
0x9e: {  	s0 =	simm.s32 @!p0 $0x6  }
0x9f: {  	_ =	swait.ge @!p0 [sflag:s0], s1  }
0xa0: {  	s1 =	ssub.s32 @!p0 $0x0, s1;
	[sflag:s0] =	ssyncset.done @!p0 $0x0  }
0xa1: {  	[sflag:s0] =	ssyncadd.s32 @!p0 s1  }
0xa2: {  	[bflag:$0x3] =	sbarrier.arrive $0xFFFF  }
0xa3: {  	_ =	shalt  }

</sc_bundles>
